<compile_context>
chip_gen: v7x
topology: tpu7x:2x2x1
jax: 0.10.2.dev20260603
libtpu: 0.0.44.dev20260713+nightly
codegen_flags: <defaults>
</compile_context>

<pallas_src>
import jax
import jax.numpy as jnp
from jax import lax
from jax.experimental import pallas as pl
from jax.experimental.pallas import tpu as pltpu
from jax.experimental.pallas import tpu_sc as plsc

B, F, V, D = 4096, 26, 1000000, 13
L = 16
NC, NS = 2, 16
NW = NC * NS
BPW = B // NW
NCH = BPW // L


def _sc_body(*refs):
    xs_hbm, xd_hbm = refs[0], refs[1]
    tabs = refs[2:2 + F]
    w_hbm = refs[2 + F]
    out_hbm = refs[3 + F]
    xs_v, xd_v, w_v, idx_v, gath_v, out_v, sem = refs[4 + F:]

    wid = lax.axis_index("s") * NC + lax.axis_index("c")
    base = wid * BPW

    pltpu.sync_copy(xs_hbm.at[pl.ds(base * F, BPW * F)], xs_v)
    pltpu.sync_copy(xd_hbm.at[pl.ds(base * D, BPW * D)], xd_v)
    pltpu.sync_copy(w_hbm, w_v)

    iota = lax.broadcasted_iota(jnp.int32, (L,), 0)

    def build_f(f, _):
        def build_c(c, _):
            rows = c * L + iota
            idx_v[f, pl.ds(c * L, L)] = plsc.load_gather(xs_v, [rows * F + f])
            return 0

        return lax.fori_loop(0, NCH, build_c, 0)

    lax.fori_loop(0, F, build_f, 0)

    copies = [
        pltpu.async_copy(tabs[f].at[idx_v.at[f]], gath_v.at[f], sem)
        for f in range(F)
    ]
    for c in copies:
        c.wait()

    def red_c(c, _):
        rows = c * L + iota

        def red_f(f, s):
            return s + gath_v[f, pl.ds(c * L, L)]

        s = lax.fori_loop(0, F, red_f, jnp.zeros((L,), jnp.float32))

        def red_d(d, s):
            dcol = jnp.zeros((L,), jnp.int32) + d
            xv = plsc.load_gather(xd_v, [rows * D + d])
            wv = plsc.load_gather(w_v, [dcol])
            return s + xv * wv

        s = lax.fori_loop(0, D, red_d, s)
        out_v[pl.ds(c * L, L)] = s
        return 0

    lax.fori_loop(0, NCH, red_c, 0)

    pltpu.sync_copy(out_v, out_hbm.at[pl.ds(base, BPW)])


def kernel(x_sparse, x_dense, emb_table, dense_weight):
    tabs = [emb_table[f].reshape(-1) for f in range(F)]
    xs_flat = x_sparse.reshape(-1)
    xd_flat = x_dense.reshape(-1)
    w_pad = jnp.pad(dense_weight.reshape(-1), (0, L - D))
    mesh = plsc.VectorSubcoreMesh(core_axis_name="c", subcore_axis_name="s")
    run = pl.kernel(
        _sc_body,
        out_type=jax.ShapeDtypeStruct((B,), jnp.float32),
        mesh=mesh,
        compiler_params=pltpu.CompilerParams(needs_layout_passes=False),
        scratch_types=[
            pltpu.VMEM((BPW * F,), jnp.int32),
            pltpu.VMEM((BPW * D,), jnp.float32),
            pltpu.VMEM((L,), jnp.float32),
            pltpu.VMEM((F, BPW), jnp.int32),
            pltpu.VMEM((F, BPW), jnp.float32),
            pltpu.VMEM((BPW,), jnp.float32),
            pltpu.SemaphoreType.DMA,
        ],
    )
    out = run(xs_flat, xd_flat, *tabs, w_pad)
    return out.reshape(B, 1)

# --- scband reference (transcript-rebuilt; emitter-appended) ---
"""Pipeline reference for scband-linear-50568944943395 (READ-ONLY COPY).

The authoritative reference and input builder live on the scoring server;
editing this copy changes nothing except your own understanding.
"""

import jax, jax.numpy as jnp
import numpy as np

B, F, V, D = 4096, 26, 1000000, 13

def setup_inputs(seed: int = 0) -> dict:
    key = jax.random.key(seed)
    k1, k2, k3, k4 = jax.random.split(key, 4)
    x_sparse = jax.random.randint(k1, (B, F), 0, V, dtype=jnp.int32)
    x_dense = jax.random.uniform(k2, (B, D), dtype=jnp.float32)
    emb_table = jax.random.normal(k3, (F, V, 1), dtype=jnp.float32) * 1e-4
    dense_weight = jax.random.normal(k4, (D, 1), dtype=jnp.float32) * 1e-4
    return {"x_sparse": x_sparse, "x_dense": x_dense, "emb_table": emb_table, "dense_weight": dense_weight}

def reference(x_sparse, x_dense, emb_table, dense_weight):
    # DeepCTR Linear: per-field 1-dim embedding lookup (one table per sparse feature,
    # here stacked as emb_table[F, V, 1]), concat over fields, sum -> sparse logit;
    # dense features -> matmul with weight -> dense logit; linear_logit = sum.
    # gathered[b, f, :] = emb_table[f, x_sparse[b, f], :]
    gathered = jax.vmap(lambda tbl, idx: jnp.take(tbl, idx, axis=0), in_axes=(0, 1), out_axes=1)(emb_table, x_sparse)
    # gathered: [B, F, 1]; torch.sum over last dim of the concatenated [B, F*1] embeddings
    sparse_feat_logit = jnp.sum(gathered.reshape(gathered.shape[0], -1), axis=-1, keepdims=True)
    dense_value_logit = x_dense @ dense_weight
    linear_logit = sparse_feat_logit + dense_value_logit
    return linear_logit

if __name__ == "__main__":
    import jax
    _d = setup_inputs()
    print(jax.jit(kernel)(*tuple(_d.values())))

</pallas_src>

<mosaic_0001>
#map = affine_map<(d0, d1) -> (0)>
module attributes {stable_mosaic.version = 14 : i64} {
  func.func @_sc_body(%arg0: i32, %arg1: i32, %arg2: memref<106496xi32, #tpu.memory_space<hbm>>, %arg3: memref<53248xf32, #tpu.memory_space<hbm>>, %arg4: memref<1000000xf32, #tpu.memory_space<hbm>>, %arg5: memref<1000000xf32, #tpu.memory_space<hbm>>, %arg6: memref<1000000xf32, #tpu.memory_space<hbm>>, %arg7: memref<1000000xf32, #tpu.memory_space<hbm>>, %arg8: memref<1000000xf32, #tpu.memory_space<hbm>>, %arg9: memref<1000000xf32, #tpu.memory_space<hbm>>, %arg10: memref<1000000xf32, #tpu.memory_space<hbm>>, %arg11: memref<1000000xf32, #tpu.memory_space<hbm>>, %arg12: memref<1000000xf32, #tpu.memory_space<hbm>>, %arg13: memref<1000000xf32, #tpu.memory_space<hbm>>, %arg14: memref<1000000xf32, #tpu.memory_space<hbm>>, %arg15: memref<1000000xf32, #tpu.memory_space<hbm>>, %arg16: memref<1000000xf32, #tpu.memory_space<hbm>>, %arg17: memref<1000000xf32, #tpu.memory_space<hbm>>, %arg18: memref<1000000xf32, #tpu.memory_space<hbm>>, %arg19: memref<1000000xf32, #tpu.memory_space<hbm>>, %arg20: memref<1000000xf32, #tpu.memory_space<hbm>>, %arg21: memref<1000000xf32, #tpu.memory_space<hbm>>, %arg22: memref<1000000xf32, #tpu.memory_space<hbm>>, %arg23: memref<1000000xf32, #tpu.memory_space<hbm>>, %arg24: memref<1000000xf32, #tpu.memory_space<hbm>>, %arg25: memref<1000000xf32, #tpu.memory_space<hbm>>, %arg26: memref<1000000xf32, #tpu.memory_space<hbm>>, %arg27: memref<1000000xf32, #tpu.memory_space<hbm>>, %arg28: memref<1000000xf32, #tpu.memory_space<hbm>>, %arg29: memref<1000000xf32, #tpu.memory_space<hbm>>, %arg30: memref<16xf32, #tpu.memory_space<hbm>>, %arg31: memref<4096xf32, #tpu.memory_space<hbm>>, %arg32: memref<3328xi32, #tpu.memory_space<vmem>>, %arg33: memref<1664xf32, #tpu.memory_space<vmem>>, %arg34: memref<16xf32, #tpu.memory_space<vmem>>, %arg35: memref<26x128xi32, #tpu.memory_space<vmem>>, %arg36: memref<26x128xf32, #tpu.memory_space<vmem>>, %arg37: memref<128xf32, #tpu.memory_space<vmem>>, %arg38: memref<!tpu.dma_semaphore, #tpu.memory_space<semaphore_mem>>) attributes {dimension_semantics = [#tpu.dimension_semantics<core_parallel>, #tpu.dimension_semantics<subcore_parallel>], iteration_bounds = array<i64: 2, 16>, scalar_prefetch = 0 : i64, scratch_operands = 7 : i64, tpu.core_type = #tpu.core_type<sc_vector_subcore>, window_params = [{transform_indices = #map}, {transform_indices = #map}, {transform_indices = #map}, {transform_indices = #map}, {transform_indices = #map}, {transform_indices = #map}, {transform_indices = #map}, {transform_indices = #map}, {transform_indices = #map}, {transform_indices = #map}, {transform_indices = #map}, {transform_indices = #map}, {transform_indices = #map}, {transform_indices = #map}, {transform_indices = #map}, {transform_indices = #map}, {transform_indices = #map}, {transform_indices = #map}, {transform_indices = #map}, {transform_indices = #map}, {transform_indices = #map}, {transform_indices = #map}, {transform_indices = #map}, {transform_indices = #map}, {transform_indices = #map}, {transform_indices = #map}, {transform_indices = #map}, {transform_indices = #map}, {transform_indices = #map}, {transform_indices = #map}]} {
    %mul3A = arith.constant 2 : i32
    %mul3A_0 = arith.muli %arg1, %mul3A : i32
    %add3A = arith.addi %mul3A_0, %arg0 : i32
    %mul3A_1 = arith.constant 128 : i32
    %mul3A_2 = arith.muli %add3A, %mul3A_1 : i32
    %mul3A_3 = arith.constant 26 : i32
    %mul3A_4 = arith.muli %mul3A_2, %mul3A_3 : i32
    "tpu.region"() ({
      %run_scoped3A = tpu.sem_alloc : memref<!tpu.dma_semaphore, #tpu.memory_space<semaphore_mem>>
      %dma_start3A_538 = tpu.memref_slice %arg2[%mul3A_4] : memref<106496xi32, #tpu.memory_space<hbm>> -> memref<3328xi32, #tpu.memory_space<hbm>>
      %dma_start3A_539 = tpu.memref_slice %arg2[%mul3A_4] : memref<106496xi32, #tpu.memory_space<hbm>> -> memref<3328xi32, #tpu.memory_space<hbm>>
      tpu.enqueue_dma source(%dma_start3A_539 : memref<3328xi32, #tpu.memory_space<hbm>>) target(%arg32 : memref<3328xi32, #tpu.memory_space<vmem>>) target_semaphore(%run_scoped3A : memref<!tpu.dma_semaphore, #tpu.memory_space<semaphore_mem>>)
      %dma_wait3A_540 = tpu.memref_slice %arg2[%mul3A_4] : memref<106496xi32, #tpu.memory_space<hbm>> -> memref<3328xi32, #tpu.memory_space<hbm>>
      %dma_wait3A_541 = tpu.memref_slice %arg2[%mul3A_4] : memref<106496xi32, #tpu.memory_space<hbm>> -> memref<3328xi32, #tpu.memory_space<hbm>>
      tpu.wait_dma2 semaphore(%run_scoped3A : memref<!tpu.dma_semaphore, #tpu.memory_space<semaphore_mem>>) src(%dma_wait3A_541 : memref<3328xi32, #tpu.memory_space<hbm>>) dst(%arg32 : memref<3328xi32, #tpu.memory_space<vmem>>)
      tpu.yield
    }) : () -> ()
    %mul3A_5 = arith.constant 13 : i32
    %mul3A_6 = arith.muli %mul3A_2, %mul3A_5 : i32
    "tpu.region"() ({
      %run_scoped3A = tpu.sem_alloc : memref<!tpu.dma_semaphore, #tpu.memory_space<semaphore_mem>>
      %dma_start3A_538 = tpu.memref_slice %arg3[%mul3A_6] : memref<53248xf32, #tpu.memory_space<hbm>> -> memref<1664xf32, #tpu.memory_space<hbm>>
      %dma_start3A_539 = tpu.memref_slice %arg3[%mul3A_6] : memref<53248xf32, #tpu.memory_space<hbm>> -> memref<1664xf32, #tpu.memory_space<hbm>>
      tpu.enqueue_dma source(%dma_start3A_539 : memref<1664xf32, #tpu.memory_space<hbm>>) target(%arg33 : memref<1664xf32, #tpu.memory_space<vmem>>) target_semaphore(%run_scoped3A : memref<!tpu.dma_semaphore, #tpu.memory_space<semaphore_mem>>)
      %dma_wait3A_540 = tpu.memref_slice %arg3[%mul3A_6] : memref<53248xf32, #tpu.memory_space<hbm>> -> memref<1664xf32, #tpu.memory_space<hbm>>
      %dma_wait3A_541 = tpu.memref_slice %arg3[%mul3A_6] : memref<53248xf32, #tpu.memory_space<hbm>> -> memref<1664xf32, #tpu.memory_space<hbm>>
      tpu.wait_dma2 semaphore(%run_scoped3A : memref<!tpu.dma_semaphore, #tpu.memory_space<semaphore_mem>>) src(%dma_wait3A_541 : memref<1664xf32, #tpu.memory_space<hbm>>) dst(%arg33 : memref<1664xf32, #tpu.memory_space<vmem>>)
      tpu.yield
    }) : () -> ()
    "tpu.region"() ({
      %run_scoped3A = tpu.sem_alloc : memref<!tpu.dma_semaphore, #tpu.memory_space<semaphore_mem>>
      tpu.enqueue_dma source(%arg30 : memref<16xf32, #tpu.memory_space<hbm>>) target(%arg34 : memref<16xf32, #tpu.memory_space<vmem>>) target_semaphore(%run_scoped3A : memref<!tpu.dma_semaphore, #tpu.memory_space<semaphore_mem>>)
      tpu.wait_dma2 semaphore(%run_scoped3A : memref<!tpu.dma_semaphore, #tpu.memory_space<semaphore_mem>>) src(%arg30 : memref<16xf32, #tpu.memory_space<hbm>>) dst(%arg34 : memref<16xf32, #tpu.memory_space<vmem>>)
      tpu.yield
    }) : () -> ()
    %iota3A = tpu.iota {dimensions = array<i32: 0>} : vector<16xi32>
    %scan3A = arith.constant 0 : i32
    %scan3A_7 = arith.constant 0 : i32
    %scan3A_8 = arith.constant 26 : i32
    %scan3A_9 = arith.addi %scan3A_7, %scan3A_8 : i32
    %scan3A_10 = arith.constant 1 : i32
    %scan3A_11 = scf.for %scan3A_538 = %scan3A_7 to %scan3A_9 step %scan3A_10 iter_args(%scan3A_539 = %scan3A) -> (i32)  : i32 {
      %scan3A_540 = arith.constant 0 : i32
      %scan3A_541 = arith.constant 0 : i32
      %scan3A_542 = arith.constant 8 : i32
      %scan3A_543 = arith.addi %scan3A_541, %scan3A_542 : i32
      %scan3A_544 = arith.constant 1 : i32
      %scan3A_545 = scf.for %scan3A_547 = %scan3A_541 to %scan3A_543 step %scan3A_544 iter_args(%scan3A_548 = %scan3A_540) -> (i32)  : i32 {
        %mul3A_549 = arith.constant 16 : i32
        %mul3A_550 = arith.muli %scan3A_547, %mul3A_549 : i32
        %add3A_551 = vector.broadcast %mul3A_550 : i32 to vector<16xi32>
        %add3A_552 = arith.addi %add3A_551, %iota3A : vector<16xi32>
        %mul3A_553 = arith.constant 26 : i32
        %mul3A_554 = vector.broadcast %mul3A_553 : i32 to vector<16xi32>
        %mul3A_555 = arith.muli %add3A_552, %mul3A_554 : vector<16xi32>
        %add3A_556 = vector.broadcast %scan3A_538 : i32 to vector<16xi32>
        %add3A_557 = arith.addi %mul3A_555, %add3A_556 : vector<16xi32>
        %gather3A = tpu.vector_load_idx %arg32[%add3A_557] : memref<3328xi32, #tpu.memory_space<vmem>>[vector<16xi32>], vector<16xi32>,
        %mul3A_558 = arith.constant 16 : i32
        %mul3A_559 = arith.muli %scan3A_547, %mul3A_558 : i32
        %swap3A = arith.index_cast %scan3A_538 : i32 to index
        %swap3A_560 = arith.index_cast %mul3A_559 : i32 to index
        %swap3A_561 = tpu.vector_load %arg35[%swap3A, %swap3A_560] {strides = array<i32>} : memref<26x128xi32, #tpu.memory_space<vmem>>, vector<16xi32>,
        tpu.vector_store %arg35[%swap3A, %swap3A_560], %gather3A {strides = array<i32>} : memref<26x128xi32, #tpu.memory_space<vmem>>, vector<16xi32>,
        %scan3A_562 = arith.constant 0 : i32
        scf.yield %scan3A_562 : i32
      }
      %scan3A_546 = arith.constant 8 : i32
      scf.yield %scan3A_545 : i32
    }
    %scan3A_12 = arith.constant 26 : i32
    %dma_start3A = arith.constant 0 : i32
    %dma_start3A_13 = arith.constant 0 : i32
    %dma_start3A_14 = arith.constant 0 : i32
    %dma_start3A_15 = tpu.memref_slice %arg36[%dma_start3A_13, %dma_start3A_14] : memref<26x128xf32, #tpu.memory_space<vmem>> -> memref<1x128xf32, #tpu.memory_space<vmem>>
    %dma_start3A_16 = tpu.memref_squeeze %dma_start3A_15 : memref<1x128xf32, #tpu.memory_space<vmem>> -> memref<128xf32, #tpu.memory_space<vmem>>
    %dma_start3A_17 = arith.constant 0 : i32
    %dma_start3A_18 = tpu.memref_slice %arg35[%dma_start3A, %dma_start3A_17] : memref<26x128xi32, #tpu.memory_space<vmem>> -> memref<1x128xi32, #tpu.memory_space<vmem>>
    %dma_start3A_19 = tpu.memref_squeeze %dma_start3A_18 : memref<1x128xi32, #tpu.memory_space<vmem>> -> memref<128xi32, #tpu.memory_space<vmem>>
    %dma_start3A_20 = arith.constant 0 : i32
    %dma_start3A_21 = tpu.memref_slice %arg4[%dma_start3A_20] : memref<1000000xf32, #tpu.memory_space<hbm>> -> memref<1000000xf32, #tpu.memory_space<hbm>>
    tpu.enqueue_indirect_dma source(%dma_start3A_21 : memref<1000000xf32, #tpu.memory_space<hbm>>) target(%dma_start3A_16 : memref<128xf32, #tpu.memory_space<vmem>>) offsets(%dma_start3A_19 : memref<128xi32, #tpu.memory_space<vmem>>) semaphore(%arg38 : memref<!tpu.dma_semaphore, #tpu.memory_space<semaphore_mem>>)
    %dma_start3A_22 = arith.constant 1 : i32
    %dma_start3A_23 = arith.constant 1 : i32
    %dma_start3A_24 = arith.constant 0 : i32
    %dma_start3A_25 = tpu.memref_slice %arg36[%dma_start3A_23, %dma_start3A_24] : memref<26x128xf32, #tpu.memory_space<vmem>> -> memref<1x128xf32, #tpu.memory_space<vmem>>
    %dma_start3A_26 = tpu.memref_squeeze %dma_start3A_25 : memref<1x128xf32, #tpu.memory_space<vmem>> -> memref<128xf32, #tpu.memory_space<vmem>>
    %dma_start3A_27 = arith.constant 0 : i32
    %dma_start3A_28 = tpu.memref_slice %arg35[%dma_start3A_22, %dma_start3A_27] : memref<26x128xi32, #tpu.memory_space<vmem>> -> memref<1x128xi32, #tpu.memory_space<vmem>>
    %dma_start3A_29 = tpu.memref_squeeze %dma_start3A_28 : memref<1x128xi32, #tpu.memory_space<vmem>> -> memref<128xi32, #tpu.memory_space<vmem>>
    %dma_start3A_30 = arith.constant 0 : i32
    %dma_start3A_31 = tpu.memref_slice %arg5[%dma_start3A_30] : memref<1000000xf32, #tpu.memory_space<hbm>> -> memref<1000000xf32, #tpu.memory_space<hbm>>
    tpu.enqueue_indirect_dma source(%dma_start3A_31 : memref<1000000xf32, #tpu.memory_space<hbm>>) target(%dma_start3A_26 : memref<128xf32, #tpu.memory_space<vmem>>) offsets(%dma_start3A_29 : memref<128xi32, #tpu.memory_space<vmem>>) semaphore(%arg38 : memref<!tpu.dma_semaphore, #tpu.memory_space<semaphore_mem>>)
    %dma_start3A_32 = arith.constant 2 : i32
    %dma_start3A_33 = arith.constant 2 : i32
    %dma_start3A_34 = arith.constant 0 : i32
    %dma_start3A_35 = tpu.memref_slice %arg36[%dma_start3A_33, %dma_start3A_34] : memref<26x128xf32, #tpu.memory_space<vmem>> -> memref<1x128xf32, #tpu.memory_space<vmem>>
    %dma_start3A_36 = tpu.memref_squeeze %dma_start3A_35 : memref<1x128xf32, #tpu.memory_space<vmem>> -> memref<128xf32, #tpu.memory_space<vmem>>
    %dma_start3A_37 = arith.constant 0 : i32
    %dma_start3A_38 = tpu.memref_slice %arg35[%dma_start3A_32, %dma_start3A_37] : memref<26x128xi32, #tpu.memory_space<vmem>> -> memref<1x128xi32, #tpu.memory_space<vmem>>
    %dma_start3A_39 = tpu.memref_squeeze %dma_start3A_38 : memref<1x128xi32, #tpu.memory_space<vmem>> -> memref<128xi32, #tpu.memory_space<vmem>>
    %dma_start3A_40 = arith.constant 0 : i32
    %dma_start3A_41 = tpu.memref_slice %arg6[%dma_start3A_40] : memref<1000000xf32, #tpu.memory_space<hbm>> -> memref<1000000xf32, #tpu.memory_space<hbm>>
    tpu.enqueue_indirect_dma source(%dma_start3A_41 : memref<1000000xf32, #tpu.memory_space<hbm>>) target(%dma_start3A_36 : memref<128xf32, #tpu.memory_space<vmem>>) offsets(%dma_start3A_39 : memref<128xi32, #tpu.memory_space<vmem>>) semaphore(%arg38 : memref<!tpu.dma_semaphore, #tpu.memory_space<semaphore_mem>>)
    %dma_start3A_42 = arith.constant 3 : i32
    %dma_start3A_43 = arith.constant 3 : i32
    %dma_start3A_44 = arith.constant 0 : i32
    %dma_start3A_45 = tpu.memref_slice %arg36[%dma_start3A_43, %dma_start3A_44] : memref<26x128xf32, #tpu.memory_space<vmem>> -> memref<1x128xf32, #tpu.memory_space<vmem>>
    %dma_start3A_46 = tpu.memref_squeeze %dma_start3A_45 : memref<1x128xf32, #tpu.memory_space<vmem>> -> memref<128xf32, #tpu.memory_space<vmem>>
    %dma_start3A_47 = arith.constant 0 : i32
    %dma_start3A_48 = tpu.memref_slice %arg35[%dma_start3A_42, %dma_start3A_47] : memref<26x128xi32, #tpu.memory_space<vmem>> -> memref<1x128xi32, #tpu.memory_space<vmem>>
    %dma_start3A_49 = tpu.memref_squeeze %dma_start3A_48 : memref<1x128xi32, #tpu.memory_space<vmem>> -> memref<128xi32, #tpu.memory_space<vmem>>
    %dma_start3A_50 = arith.constant 0 : i32
    %dma_start3A_51 = tpu.memref_slice %arg7[%dma_start3A_50] : memref<1000000xf32, #tpu.memory_space<hbm>> -> memref<1000000xf32, #tpu.memory_space<hbm>>
    tpu.enqueue_indirect_dma source(%dma_start3A_51 : memref<1000000xf32, #tpu.memory_space<hbm>>) target(%dma_start3A_46 : memref<128xf32, #tpu.memory_space<vmem>>) offsets(%dma_start3A_49 : memref<128xi32, #tpu.memory_space<vmem>>) semaphore(%arg38 : memref<!tpu.dma_semaphore, #tpu.memory_space<semaphore_mem>>)
    %dma_start3A_52 = arith.constant 4 : i32
    %dma_start3A_53 = arith.constant 4 : i32
    %dma_start3A_54 = arith.constant 0 : i32
    %dma_start3A_55 = tpu.memref_slice %arg36[%dma_start3A_53, %dma_start3A_54] : memref<26x128xf32, #tpu.memory_space<vmem>> -> memref<1x128xf32, #tpu.memory_space<vmem>>
    %dma_start3A_56 = tpu.memref_squeeze %dma_start3A_55 : memref<1x128xf32, #tpu.memory_space<vmem>> -> memref<128xf32, #tpu.memory_space<vmem>>
    %dma_start3A_57 = arith.constant 0 : i32
    %dma_start3A_58 = tpu.memref_slice %arg35[%dma_start3A_52, %dma_start3A_57] : memref<26x128xi32, #tpu.memory_space<vmem>> -> memref<1x128xi32, #tpu.memory_space<vmem>>
    %dma_start3A_59 = tpu.memref_squeeze %dma_start3A_58 : memref<1x128xi32, #tpu.memory_space<vmem>> -> memref<128xi32, #tpu.memory_space<vmem>>
    %dma_start3A_60 = arith.constant 0 : i32
    %dma_start3A_61 = tpu.memref_slice %arg8[%dma_start3A_60] : memref<1000000xf32, #tpu.memory_space<hbm>> -> memref<1000000xf32, #tpu.memory_space<hbm>>
    tpu.enqueue_indirect_dma source(%dma_start3A_61 : memref<1000000xf32, #tpu.memory_space<hbm>>) target(%dma_start3A_56 : memref<128xf32, #tpu.memory_space<vmem>>) offsets(%dma_start3A_59 : memref<128xi32, #tpu.memory_space<vmem>>) semaphore(%arg38 : memref<!tpu.dma_semaphore, #tpu.memory_space<semaphore_mem>>)
    %dma_start3A_62 = arith.constant 5 : i32
    %dma_start3A_63 = arith.constant 5 : i32
    %dma_start3A_64 = arith.constant 0 : i32
    %dma_start3A_65 = tpu.memref_slice %arg36[%dma_start3A_63, %dma_start3A_64] : memref<26x128xf32, #tpu.memory_space<vmem>> -> memref<1x128xf32, #tpu.memory_space<vmem>>
    %dma_start3A_66 = tpu.memref_squeeze %dma_start3A_65 : memref<1x128xf32, #tpu.memory_space<vmem>> -> memref<128xf32, #tpu.memory_space<vmem>>
    %dma_start3A_67 = arith.constant 0 : i32
    %dma_start3A_68 = tpu.memref_slice %arg35[%dma_start3A_62, %dma_start3A_67] : memref<26x128xi32, #tpu.memory_space<vmem>> -> memref<1x128xi32, #tpu.memory_space<vmem>>
    %dma_start3A_69 = tpu.memref_squeeze %dma_start3A_68 : memref<1x128xi32, #tpu.memory_space<vmem>> -> memref<128xi32, #tpu.memory_space<vmem>>
    %dma_start3A_70 = arith.constant 0 : i32
    %dma_start3A_71 = tpu.memref_slice %arg9[%dma_start3A_70] : memref<1000000xf32, #tpu.memory_space<hbm>> -> memref<1000000xf32, #tpu.memory_space<hbm>>
    tpu.enqueue_indirect_dma source(%dma_start3A_71 : memref<1000000xf32, #tpu.memory_space<hbm>>) target(%dma_start3A_66 : memref<128xf32, #tpu.memory_space<vmem>>) offsets(%dma_start3A_69 : memref<128xi32, #tpu.memory_space<vmem>>) semaphore(%arg38 : memref<!tpu.dma_semaphore, #tpu.memory_space<semaphore_mem>>)
    %dma_start3A_72 = arith.constant 6 : i32
    %dma_start3A_73 = arith.constant 6 : i32
    %dma_start3A_74 = arith.constant 0 : i32
    %dma_start3A_75 = tpu.memref_slice %arg36[%dma_start3A_73, %dma_start3A_74] : memref<26x128xf32, #tpu.memory_space<vmem>> -> memref<1x128xf32, #tpu.memory_space<vmem>>
    %dma_start3A_76 = tpu.memref_squeeze %dma_start3A_75 : memref<1x128xf32, #tpu.memory_space<vmem>> -> memref<128xf32, #tpu.memory_space<vmem>>
    %dma_start3A_77 = arith.constant 0 : i32
    %dma_start3A_78 = tpu.memref_slice %arg35[%dma_start3A_72, %dma_start3A_77] : memref<26x128xi32, #tpu.memory_space<vmem>> -> memref<1x128xi32, #tpu.memory_space<vmem>>
    %dma_start3A_79 = tpu.memref_squeeze %dma_start3A_78 : memref<1x128xi32, #tpu.memory_space<vmem>> -> memref<128xi32, #tpu.memory_space<vmem>>
    %dma_start3A_80 = arith.constant 0 : i32
    %dma_start3A_81 = tpu.memref_slice %arg10[%dma_start3A_80] : memref<1000000xf32, #tpu.memory_space<hbm>> -> memref<1000000xf32, #tpu.memory_space<hbm>>
    tpu.enqueue_indirect_dma source(%dma_start3A_81 : memref<1000000xf32, #tpu.memory_space<hbm>>) target(%dma_start3A_76 : memref<128xf32, #tpu.memory_space<vmem>>) offsets(%dma_start3A_79 : memref<128xi32, #tpu.memory_space<vmem>>) semaphore(%arg38 : memref<!tpu.dma_semaphore, #tpu.memory_space<semaphore_mem>>)
    %dma_start3A_82 = arith.constant 7 : i32
    %dma_start3A_83 = arith.constant 7 : i32
    %dma_start3A_84 = arith.constant 0 : i32
    %dma_start3A_85 = tpu.memref_slice %arg36[%dma_start3A_83, %dma_start3A_84] : memref<26x128xf32, #tpu.memory_space<vmem>> -> memref<1x128xf32, #tpu.memory_space<vmem>>
    %dma_start3A_86 = tpu.memref_squeeze %dma_start3A_85 : memref<1x128xf32, #tpu.memory_space<vmem>> -> memref<128xf32, #tpu.memory_space<vmem>>
    %dma_start3A_87 = arith.constant 0 : i32
    %dma_start3A_88 = tpu.memref_slice %arg35[%dma_start3A_82, %dma_start3A_87] : memref<26x128xi32, #tpu.memory_space<vmem>> -> memref<1x128xi32, #tpu.memory_space<vmem>>
    %dma_start3A_89 = tpu.memref_squeeze %dma_start3A_88 : memref<1x128xi32, #tpu.memory_space<vmem>> -> memref<128xi32, #tpu.memory_space<vmem>>
    %dma_start3A_90 = arith.constant 0 : i32
    %dma_start3A_91 = tpu.memref_slice %arg11[%dma_start3A_90] : memref<1000000xf32, #tpu.memory_space<hbm>> -> memref<1000000xf32, #tpu.memory_space<hbm>>
    tpu.enqueue_indirect_dma source(%dma_start3A_91 : memref<1000000xf32, #tpu.memory_space<hbm>>) target(%dma_start3A_86 : memref<128xf32, #tpu.memory_space<vmem>>) offsets(%dma_start3A_89 : memref<128xi32, #tpu.memory_space<vmem>>) semaphore(%arg38 : memref<!tpu.dma_semaphore, #tpu.memory_space<semaphore_mem>>)
    %dma_start3A_92 = arith.constant 8 : i32
    %dma_start3A_93 = arith.constant 8 : i32
    %dma_start3A_94 = arith.constant 0 : i32
    %dma_start3A_95 = tpu.memref_slice %arg36[%dma_start3A_93, %dma_start3A_94] : memref<26x128xf32, #tpu.memory_space<vmem>> -> memref<1x128xf32, #tpu.memory_space<vmem>>
    %dma_start3A_96 = tpu.memref_squeeze %dma_start3A_95 : memref<1x128xf32, #tpu.memory_space<vmem>> -> memref<128xf32, #tpu.memory_space<vmem>>
    %dma_start3A_97 = arith.constant 0 : i32
    %dma_start3A_98 = tpu.memref_slice %arg35[%dma_start3A_92, %dma_start3A_97] : memref<26x128xi32, #tpu.memory_space<vmem>> -> memref<1x128xi32, #tpu.memory_space<vmem>>
    %dma_start3A_99 = tpu.memref_squeeze %dma_start3A_98 : memref<1x128xi32, #tpu.memory_space<vmem>> -> memref<128xi32, #tpu.memory_space<vmem>>
    %dma_start3A_100 = arith.constant 0 : i32
    %dma_start3A_101 = tpu.memref_slice %arg12[%dma_start3A_100] : memref<1000000xf32, #tpu.memory_space<hbm>> -> memref<1000000xf32, #tpu.memory_space<hbm>>
    tpu.enqueue_indirect_dma source(%dma_start3A_101 : memref<1000000xf32, #tpu.memory_space<hbm>>) target(%dma_start3A_96 : memref<128xf32, #tpu.memory_space<vmem>>) offsets(%dma_start3A_99 : memref<128xi32, #tpu.memory_space<vmem>>) semaphore(%arg38 : memref<!tpu.dma_semaphore, #tpu.memory_space<semaphore_mem>>)
    %dma_start3A_102 = arith.constant 9 : i32
    %dma_start3A_103 = arith.constant 9 : i32
    %dma_start3A_104 = arith.constant 0 : i32
    %dma_start3A_105 = tpu.memref_slice %arg36[%dma_start3A_103, %dma_start3A_104] : memref<26x128xf32, #tpu.memory_space<vmem>> -> memref<1x128xf32, #tpu.memory_space<vmem>>
    %dma_start3A_106 = tpu.memref_squeeze %dma_start3A_105 : memref<1x128xf32, #tpu.memory_space<vmem>> -> memref<128xf32, #tpu.memory_space<vmem>>
    %dma_start3A_107 = arith.constant 0 : i32
    %dma_start3A_108 = tpu.memref_slice %arg35[%dma_start3A_102, %dma_start3A_107] : memref<26x128xi32, #tpu.memory_space<vmem>> -> memref<1x128xi32, #tpu.memory_space<vmem>>
    %dma_start3A_109 = tpu.memref_squeeze %dma_start3A_108 : memref<1x128xi32, #tpu.memory_space<vmem>> -> memref<128xi32, #tpu.memory_space<vmem>>
    %dma_start3A_110 = arith.constant 0 : i32
    %dma_start3A_111 = tpu.memref_slice %arg13[%dma_start3A_110] : memref<1000000xf32, #tpu.memory_space<hbm>> -> memref<1000000xf32, #tpu.memory_space<hbm>>
    tpu.enqueue_indirect_dma source(%dma_start3A_111 : memref<1000000xf32, #tpu.memory_space<hbm>>) target(%dma_start3A_106 : memref<128xf32, #tpu.memory_space<vmem>>) offsets(%dma_start3A_109 : memref<128xi32, #tpu.memory_space<vmem>>) semaphore(%arg38 : memref<!tpu.dma_semaphore, #tpu.memory_space<semaphore_mem>>)
    %dma_start3A_112 = arith.constant 10 : i32
    %dma_start3A_113 = arith.constant 10 : i32
    %dma_start3A_114 = arith.constant 0 : i32
    %dma_start3A_115 = tpu.memref_slice %arg36[%dma_start3A_113, %dma_start3A_114] : memref<26x128xf32, #tpu.memory_space<vmem>> -> memref<1x128xf32, #tpu.memory_space<vmem>>
    %dma_start3A_116 = tpu.memref_squeeze %dma_start3A_115 : memref<1x128xf32, #tpu.memory_space<vmem>> -> memref<128xf32, #tpu.memory_space<vmem>>
    %dma_start3A_117 = arith.constant 0 : i32
    %dma_start3A_118 = tpu.memref_slice %arg35[%dma_start3A_112, %dma_start3A_117] : memref<26x128xi32, #tpu.memory_space<vmem>> -> memref<1x128xi32, #tpu.memory_space<vmem>>
    %dma_start3A_119 = tpu.memref_squeeze %dma_start3A_118 : memref<1x128xi32, #tpu.memory_space<vmem>> -> memref<128xi32, #tpu.memory_space<vmem>>
    %dma_start3A_120 = arith.constant 0 : i32
    %dma_start3A_121 = tpu.memref_slice %arg14[%dma_start3A_120] : memref<1000000xf32, #tpu.memory_space<hbm>> -> memref<1000000xf32, #tpu.memory_space<hbm>>
    tpu.enqueue_indirect_dma source(%dma_start3A_121 : memref<1000000xf32, #tpu.memory_space<hbm>>) target(%dma_start3A_116 : memref<128xf32, #tpu.memory_space<vmem>>) offsets(%dma_start3A_119 : memref<128xi32, #tpu.memory_space<vmem>>) semaphore(%arg38 : memref<!tpu.dma_semaphore, #tpu.memory_space<semaphore_mem>>)
    %dma_start3A_122 = arith.constant 11 : i32
    %dma_start3A_123 = arith.constant 11 : i32
    %dma_start3A_124 = arith.constant 0 : i32
    %dma_start3A_125 = tpu.memref_slice %arg36[%dma_start3A_123, %dma_start3A_124] : memref<26x128xf32, #tpu.memory_space<vmem>> -> memref<1x128xf32, #tpu.memory_space<vmem>>
    %dma_start3A_126 = tpu.memref_squeeze %dma_start3A_125 : memref<1x128xf32, #tpu.memory_space<vmem>> -> memref<128xf32, #tpu.memory_space<vmem>>
    %dma_start3A_127 = arith.constant 0 : i32
    %dma_start3A_128 = tpu.memref_slice %arg35[%dma_start3A_122, %dma_start3A_127] : memref<26x128xi32, #tpu.memory_space<vmem>> -> memref<1x128xi32, #tpu.memory_space<vmem>>
    %dma_start3A_129 = tpu.memref_squeeze %dma_start3A_128 : memref<1x128xi32, #tpu.memory_space<vmem>> -> memref<128xi32, #tpu.memory_space<vmem>>
    %dma_start3A_130 = arith.constant 0 : i32
    %dma_start3A_131 = tpu.memref_slice %arg15[%dma_start3A_130] : memref<1000000xf32, #tpu.memory_space<hbm>> -> memref<1000000xf32, #tpu.memory_space<hbm>>
    tpu.enqueue_indirect_dma source(%dma_start3A_131 : memref<1000000xf32, #tpu.memory_space<hbm>>) target(%dma_start3A_126 : memref<128xf32, #tpu.memory_space<vmem>>) offsets(%dma_start3A_129 : memref<128xi32, #tpu.memory_space<vmem>>) semaphore(%arg38 : memref<!tpu.dma_semaphore, #tpu.memory_space<semaphore_mem>>)
    %dma_start3A_132 = arith.constant 12 : i32
    %dma_start3A_133 = arith.constant 12 : i32
    %dma_start3A_134 = arith.constant 0 : i32
    %dma_start3A_135 = tpu.memref_slice %arg36[%dma_start3A_133, %dma_start3A_134] : memref<26x128xf32, #tpu.memory_space<vmem>> -> memref<1x128xf32, #tpu.memory_space<vmem>>
    %dma_start3A_136 = tpu.memref_squeeze %dma_start3A_135 : memref<1x128xf32, #tpu.memory_space<vmem>> -> memref<128xf32, #tpu.memory_space<vmem>>
    %dma_start3A_137 = arith.constant 0 : i32
    %dma_start3A_138 = tpu.memref_slice %arg35[%dma_start3A_132, %dma_start3A_137] : memref<26x128xi32, #tpu.memory_space<vmem>> -> memref<1x128xi32, #tpu.memory_space<vmem>>
    %dma_start3A_139 = tpu.memref_squeeze %dma_start3A_138 : memref<1x128xi32, #tpu.memory_space<vmem>> -> memref<128xi32, #tpu.memory_space<vmem>>
    %dma_start3A_140 = arith.constant 0 : i32
    %dma_start3A_141 = tpu.memref_slice %arg16[%dma_start3A_140] : memref<1000000xf32, #tpu.memory_space<hbm>> -> memref<1000000xf32, #tpu.memory_space<hbm>>
    tpu.enqueue_indirect_dma source(%dma_start3A_141 : memref<1000000xf32, #tpu.memory_space<hbm>>) target(%dma_start3A_136 : memref<128xf32, #tpu.memory_space<vmem>>) offsets(%dma_start3A_139 : memref<128xi32, #tpu.memory_space<vmem>>) semaphore(%arg38 : memref<!tpu.dma_semaphore, #tpu.memory_space<semaphore_mem>>)
    %dma_start3A_142 = arith.constant 13 : i32
    %dma_start3A_143 = arith.constant 13 : i32
    %dma_start3A_144 = arith.constant 0 : i32
    %dma_start3A_145 = tpu.memref_slice %arg36[%dma_start3A_143, %dma_start3A_144] : memref<26x128xf32, #tpu.memory_space<vmem>> -> memref<1x128xf32, #tpu.memory_space<vmem>>
    %dma_start3A_146 = tpu.memref_squeeze %dma_start3A_145 : memref<1x128xf32, #tpu.memory_space<vmem>> -> memref<128xf32, #tpu.memory_space<vmem>>
    %dma_start3A_147 = arith.constant 0 : i32
    %dma_start3A_148 = tpu.memref_slice %arg35[%dma_start3A_142, %dma_start3A_147] : memref<26x128xi32, #tpu.memory_space<vmem>> -> memref<1x128xi32, #tpu.memory_space<vmem>>
    %dma_start3A_149 = tpu.memref_squeeze %dma_start3A_148 : memref<1x128xi32, #tpu.memory_space<vmem>> -> memref<128xi32, #tpu.memory_space<vmem>>
    %dma_start3A_150 = arith.constant 0 : i32
    %dma_start3A_151 = tpu.memref_slice %arg17[%dma_start3A_150] : memref<1000000xf32, #tpu.memory_space<hbm>> -> memref<1000000xf32, #tpu.memory_space<hbm>>
    tpu.enqueue_indirect_dma source(%dma_start3A_151 : memref<1000000xf32, #tpu.memory_space<hbm>>) target(%dma_start3A_146 : memref<128xf32, #tpu.memory_space<vmem>>) offsets(%dma_start3A_149 : memref<128xi32, #tpu.memory_space<vmem>>) semaphore(%arg38 : memref<!tpu.dma_semaphore, #tpu.memory_space<semaphore_mem>>)
    %dma_start3A_152 = arith.constant 14 : i32
    %dma_start3A_153 = arith.constant 14 : i32
    %dma_start3A_154 = arith.constant 0 : i32
    %dma_start3A_155 = tpu.memref_slice %arg36[%dma_start3A_153, %dma_start3A_154] : memref<26x128xf32, #tpu.memory_space<vmem>> -> memref<1x128xf32, #tpu.memory_space<vmem>>
    %dma_start3A_156 = tpu.memref_squeeze %dma_start3A_155 : memref<1x128xf32, #tpu.memory_space<vmem>> -> memref<128xf32, #tpu.memory_space<vmem>>
    %dma_start3A_157 = arith.constant 0 : i32
    %dma_start3A_158 = tpu.memref_slice %arg35[%dma_start3A_152, %dma_start3A_157] : memref<26x128xi32, #tpu.memory_space<vmem>> -> memref<1x128xi32, #tpu.memory_space<vmem>>
    %dma_start3A_159 = tpu.memref_squeeze %dma_start3A_158 : memref<1x128xi32, #tpu.memory_space<vmem>> -> memref<128xi32, #tpu.memory_space<vmem>>
    %dma_start3A_160 = arith.constant 0 : i32
    %dma_start3A_161 = tpu.memref_slice %arg18[%dma_start3A_160] : memref<1000000xf32, #tpu.memory_space<hbm>> -> memref<1000000xf32, #tpu.memory_space<hbm>>
    tpu.enqueue_indirect_dma source(%dma_start3A_161 : memref<1000000xf32, #tpu.memory_space<hbm>>) target(%dma_start3A_156 : memref<128xf32, #tpu.memory_space<vmem>>) offsets(%dma_start3A_159 : memref<128xi32, #tpu.memory_space<vmem>>) semaphore(%arg38 : memref<!tpu.dma_semaphore, #tpu.memory_space<semaphore_mem>>)
    %dma_start3A_162 = arith.constant 15 : i32
    %dma_start3A_163 = arith.constant 15 : i32
    %dma_start3A_164 = arith.constant 0 : i32
    %dma_start3A_165 = tpu.memref_slice %arg36[%dma_start3A_163, %dma_start3A_164] : memref<26x128xf32, #tpu.memory_space<vmem>> -> memref<1x128xf32, #tpu.memory_space<vmem>>
    %dma_start3A_166 = tpu.memref_squeeze %dma_start3A_165 : memref<1x128xf32, #tpu.memory_space<vmem>> -> memref<128xf32, #tpu.memory_space<vmem>>
    %dma_start3A_167 = arith.constant 0 : i32
    %dma_start3A_168 = tpu.memref_slice %arg35[%dma_start3A_162, %dma_start3A_167] : memref<26x128xi32, #tpu.memory_space<vmem>> -> memref<1x128xi32, #tpu.memory_space<vmem>>
    %dma_start3A_169 = tpu.memref_squeeze %dma_start3A_168 : memref<1x128xi32, #tpu.memory_space<vmem>> -> memref<128xi32, #tpu.memory_space<vmem>>
    %dma_start3A_170 = arith.constant 0 : i32
    %dma_start3A_171 = tpu.memref_slice %arg19[%dma_start3A_170] : memref<1000000xf32, #tpu.memory_space<hbm>> -> memref<1000000xf32, #tpu.memory_space<hbm>>
    tpu.enqueue_indirect_dma source(%dma_start3A_171 : memref<1000000xf32, #tpu.memory_space<hbm>>) target(%dma_start3A_166 : memref<128xf32, #tpu.memory_space<vmem>>) offsets(%dma_start3A_169 : memref<128xi32, #tpu.memory_space<vmem>>) semaphore(%arg38 : memref<!tpu.dma_semaphore, #tpu.memory_space<semaphore_mem>>)
    %dma_start3A_172 = arith.constant 16 : i32
    %dma_start3A_173 = arith.constant 16 : i32
    %dma_start3A_174 = arith.constant 0 : i32
    %dma_start3A_175 = tpu.memref_slice %arg36[%dma_start3A_173, %dma_start3A_174] : memref<26x128xf32, #tpu.memory_space<vmem>> -> memref<1x128xf32, #tpu.memory_space<vmem>>
    %dma_start3A_176 = tpu.memref_squeeze %dma_start3A_175 : memref<1x128xf32, #tpu.memory_space<vmem>> -> memref<128xf32, #tpu.memory_space<vmem>>
    %dma_start3A_177 = arith.constant 0 : i32
    %dma_start3A_178 = tpu.memref_slice %arg35[%dma_start3A_172, %dma_start3A_177] : memref<26x128xi32, #tpu.memory_space<vmem>> -> memref<1x128xi32, #tpu.memory_space<vmem>>
    %dma_start3A_179 = tpu.memref_squeeze %dma_start3A_178 : memref<1x128xi32, #tpu.memory_space<vmem>> -> memref<128xi32, #tpu.memory_space<vmem>>
    %dma_start3A_180 = arith.constant 0 : i32
    %dma_start3A_181 = tpu.memref_slice %arg20[%dma_start3A_180] : memref<1000000xf32, #tpu.memory_space<hbm>> -> memref<1000000xf32, #tpu.memory_space<hbm>>
    tpu.enqueue_indirect_dma source(%dma_start3A_181 : memref<1000000xf32, #tpu.memory_space<hbm>>) target(%dma_start3A_176 : memref<128xf32, #tpu.memory_space<vmem>>) offsets(%dma_start3A_179 : memref<128xi32, #tpu.memory_space<vmem>>) semaphore(%arg38 : memref<!tpu.dma_semaphore, #tpu.memory_space<semaphore_mem>>)
    %dma_start3A_182 = arith.constant 17 : i32
    %dma_start3A_183 = arith.constant 17 : i32
    %dma_start3A_184 = arith.constant 0 : i32
    %dma_start3A_185 = tpu.memref_slice %arg36[%dma_start3A_183, %dma_start3A_184] : memref<26x128xf32, #tpu.memory_space<vmem>> -> memref<1x128xf32, #tpu.memory_space<vmem>>
    %dma_start3A_186 = tpu.memref_squeeze %dma_start3A_185 : memref<1x128xf32, #tpu.memory_space<vmem>> -> memref<128xf32, #tpu.memory_space<vmem>>
    %dma_start3A_187 = arith.constant 0 : i32
    %dma_start3A_188 = tpu.memref_slice %arg35[%dma_start3A_182, %dma_start3A_187] : memref<26x128xi32, #tpu.memory_space<vmem>> -> memref<1x128xi32, #tpu.memory_space<vmem>>
    %dma_start3A_189 = tpu.memref_squeeze %dma_start3A_188 : memref<1x128xi32, #tpu.memory_space<vmem>> -> memref<128xi32, #tpu.memory_space<vmem>>
    %dma_start3A_190 = arith.constant 0 : i32
    %dma_start3A_191 = tpu.memref_slice %arg21[%dma_start3A_190] : memref<1000000xf32, #tpu.memory_space<hbm>> -> memref<1000000xf32, #tpu.memory_space<hbm>>
    tpu.enqueue_indirect_dma source(%dma_start3A_191 : memref<1000000xf32, #tpu.memory_space<hbm>>) target(%dma_start3A_186 : memref<128xf32, #tpu.memory_space<vmem>>) offsets(%dma_start3A_189 : memref<128xi32, #tpu.memory_space<vmem>>) semaphore(%arg38 : memref<!tpu.dma_semaphore, #tpu.memory_space<semaphore_mem>>)
    %dma_start3A_192 = arith.constant 18 : i32
    %dma_start3A_193 = arith.constant 18 : i32
    %dma_start3A_194 = arith.constant 0 : i32
    %dma_start3A_195 = tpu.memref_slice %arg36[%dma_start3A_193, %dma_start3A_194] : memref<26x128xf32, #tpu.memory_space<vmem>> -> memref<1x128xf32, #tpu.memory_space<vmem>>
    %dma_start3A_196 = tpu.memref_squeeze %dma_start3A_195 : memref<1x128xf32, #tpu.memory_space<vmem>> -> memref<128xf32, #tpu.memory_space<vmem>>
    %dma_start3A_197 = arith.constant 0 : i32
    %dma_start3A_198 = tpu.memref_slice %arg35[%dma_start3A_192, %dma_start3A_197] : memref<26x128xi32, #tpu.memory_space<vmem>> -> memref<1x128xi32, #tpu.memory_space<vmem>>
    %dma_start3A_199 = tpu.memref_squeeze %dma_start3A_198 : memref<1x128xi32, #tpu.memory_space<vmem>> -> memref<128xi32, #tpu.memory_space<vmem>>
    %dma_start3A_200 = arith.constant 0 : i32
    %dma_start3A_201 = tpu.memref_slice %arg22[%dma_start3A_200] : memref<1000000xf32, #tpu.memory_space<hbm>> -> memref<1000000xf32, #tpu.memory_space<hbm>>
    tpu.enqueue_indirect_dma source(%dma_start3A_201 : memref<1000000xf32, #tpu.memory_space<hbm>>) target(%dma_start3A_196 : memref<128xf32, #tpu.memory_space<vmem>>) offsets(%dma_start3A_199 : memref<128xi32, #tpu.memory_space<vmem>>) semaphore(%arg38 : memref<!tpu.dma_semaphore, #tpu.memory_space<semaphore_mem>>)
    %dma_start3A_202 = arith.constant 19 : i32
    %dma_start3A_203 = arith.constant 19 : i32
    %dma_start3A_204 = arith.constant 0 : i32
    %dma_start3A_205 = tpu.memref_slice %arg36[%dma_start3A_203, %dma_start3A_204] : memref<26x128xf32, #tpu.memory_space<vmem>> -> memref<1x128xf32, #tpu.memory_space<vmem>>
    %dma_start3A_206 = tpu.memref_squeeze %dma_start3A_205 : memref<1x128xf32, #tpu.memory_space<vmem>> -> memref<128xf32, #tpu.memory_space<vmem>>
    %dma_start3A_207 = arith.constant 0 : i32
    %dma_start3A_208 = tpu.memref_slice %arg35[%dma_start3A_202, %dma_start3A_207] : memref<26x128xi32, #tpu.memory_space<vmem>> -> memref<1x128xi32, #tpu.memory_space<vmem>>
    %dma_start3A_209 = tpu.memref_squeeze %dma_start3A_208 : memref<1x128xi32, #tpu.memory_space<vmem>> -> memref<128xi32, #tpu.memory_space<vmem>>
    %dma_start3A_210 = arith.constant 0 : i32
    %dma_start3A_211 = tpu.memref_slice %arg23[%dma_start3A_210] : memref<1000000xf32, #tpu.memory_space<hbm>> -> memref<1000000xf32, #tpu.memory_space<hbm>>
    tpu.enqueue_indirect_dma source(%dma_start3A_211 : memref<1000000xf32, #tpu.memory_space<hbm>>) target(%dma_start3A_206 : memref<128xf32, #tpu.memory_space<vmem>>) offsets(%dma_start3A_209 : memref<128xi32, #tpu.memory_space<vmem>>) semaphore(%arg38 : memref<!tpu.dma_semaphore, #tpu.memory_space<semaphore_mem>>)
    %dma_start3A_212 = arith.constant 20 : i32
    %dma_start3A_213 = arith.constant 20 : i32
    %dma_start3A_214 = arith.constant 0 : i32
    %dma_start3A_215 = tpu.memref_slice %arg36[%dma_start3A_213, %dma_start3A_214] : memref<26x128xf32, #tpu.memory_space<vmem>> -> memref<1x128xf32, #tpu.memory_space<vmem>>
    %dma_start3A_216 = tpu.memref_squeeze %dma_start3A_215 : memref<1x128xf32, #tpu.memory_space<vmem>> -> memref<128xf32, #tpu.memory_space<vmem>>
    %dma_start3A_217 = arith.constant 0 : i32
    %dma_start3A_218 = tpu.memref_slice %arg35[%dma_start3A_212, %dma_start3A_217] : memref<26x128xi32, #tpu.memory_space<vmem>> -> memref<1x128xi32, #tpu.memory_space<vmem>>
    %dma_start3A_219 = tpu.memref_squeeze %dma_start3A_218 : memref<1x128xi32, #tpu.memory_space<vmem>> -> memref<128xi32, #tpu.memory_space<vmem>>
    %dma_start3A_220 = arith.constant 0 : i32
    %dma_start3A_221 = tpu.memref_slice %arg24[%dma_start3A_220] : memref<1000000xf32, #tpu.memory_space<hbm>> -> memref<1000000xf32, #tpu.memory_space<hbm>>
    tpu.enqueue_indirect_dma source(%dma_start3A_221 : memref<1000000xf32, #tpu.memory_space<hbm>>) target(%dma_start3A_216 : memref<128xf32, #tpu.memory_space<vmem>>) offsets(%dma_start3A_219 : memref<128xi32, #tpu.memory_space<vmem>>) semaphore(%arg38 : memref<!tpu.dma_semaphore, #tpu.memory_space<semaphore_mem>>)
    %dma_start3A_222 = arith.constant 21 : i32
    %dma_start3A_223 = arith.constant 21 : i32
    %dma_start3A_224 = arith.constant 0 : i32
    %dma_start3A_225 = tpu.memref_slice %arg36[%dma_start3A_223, %dma_start3A_224] : memref<26x128xf32, #tpu.memory_space<vmem>> -> memref<1x128xf32, #tpu.memory_space<vmem>>
    %dma_start3A_226 = tpu.memref_squeeze %dma_start3A_225 : memref<1x128xf32, #tpu.memory_space<vmem>> -> memref<128xf32, #tpu.memory_space<vmem>>
    %dma_start3A_227 = arith.constant 0 : i32
    %dma_start3A_228 = tpu.memref_slice %arg35[%dma_start3A_222, %dma_start3A_227] : memref<26x128xi32, #tpu.memory_space<vmem>> -> memref<1x128xi32, #tpu.memory_space<vmem>>
    %dma_start3A_229 = tpu.memref_squeeze %dma_start3A_228 : memref<1x128xi32, #tpu.memory_space<vmem>> -> memref<128xi32, #tpu.memory_space<vmem>>
    %dma_start3A_230 = arith.constant 0 : i32
    %dma_start3A_231 = tpu.memref_slice %arg25[%dma_start3A_230] : memref<1000000xf32, #tpu.memory_space<hbm>> -> memref<1000000xf32, #tpu.memory_space<hbm>>
    tpu.enqueue_indirect_dma source(%dma_start3A_231 : memref<1000000xf32, #tpu.memory_space<hbm>>) target(%dma_start3A_226 : memref<128xf32, #tpu.memory_space<vmem>>) offsets(%dma_start3A_229 : memref<128xi32, #tpu.memory_space<vmem>>) semaphore(%arg38 : memref<!tpu.dma_semaphore, #tpu.memory_space<semaphore_mem>>)
    %dma_start3A_232 = arith.constant 22 : i32
    %dma_start3A_233 = arith.constant 22 : i32
    %dma_start3A_234 = arith.constant 0 : i32
    %dma_start3A_235 = tpu.memref_slice %arg36[%dma_start3A_233, %dma_start3A_234] : memref<26x128xf32, #tpu.memory_space<vmem>> -> memref<1x128xf32, #tpu.memory_space<vmem>>
    %dma_start3A_236 = tpu.memref_squeeze %dma_start3A_235 : memref<1x128xf32, #tpu.memory_space<vmem>> -> memref<128xf32, #tpu.memory_space<vmem>>
    %dma_start3A_237 = arith.constant 0 : i32
    %dma_start3A_238 = tpu.memref_slice %arg35[%dma_start3A_232, %dma_start3A_237] : memref<26x128xi32, #tpu.memory_space<vmem>> -> memref<1x128xi32, #tpu.memory_space<vmem>>
    %dma_start3A_239 = tpu.memref_squeeze %dma_start3A_238 : memref<1x128xi32, #tpu.memory_space<vmem>> -> memref<128xi32, #tpu.memory_space<vmem>>
    %dma_start3A_240 = arith.constant 0 : i32
    %dma_start3A_241 = tpu.memref_slice %arg26[%dma_start3A_240] : memref<1000000xf32, #tpu.memory_space<hbm>> -> memref<1000000xf32, #tpu.memory_space<hbm>>
    tpu.enqueue_indirect_dma source(%dma_start3A_241 : memref<1000000xf32, #tpu.memory_space<hbm>>) target(%dma_start3A_236 : memref<128xf32, #tpu.memory_space<vmem>>) offsets(%dma_start3A_239 : memref<128xi32, #tpu.memory_space<vmem>>) semaphore(%arg38 : memref<!tpu.dma_semaphore, #tpu.memory_space<semaphore_mem>>)
    %dma_start3A_242 = arith.constant 23 : i32
    %dma_start3A_243 = arith.constant 23 : i32
    %dma_start3A_244 = arith.constant 0 : i32
    %dma_start3A_245 = tpu.memref_slice %arg36[%dma_start3A_243, %dma_start3A_244] : memref<26x128xf32, #tpu.memory_space<vmem>> -> memref<1x128xf32, #tpu.memory_space<vmem>>
    %dma_start3A_246 = tpu.memref_squeeze %dma_start3A_245 : memref<1x128xf32, #tpu.memory_space<vmem>> -> memref<128xf32, #tpu.memory_space<vmem>>
    %dma_start3A_247 = arith.constant 0 : i32
    %dma_start3A_248 = tpu.memref_slice %arg35[%dma_start3A_242, %dma_start3A_247] : memref<26x128xi32, #tpu.memory_space<vmem>> -> memref<1x128xi32, #tpu.memory_space<vmem>>
    %dma_start3A_249 = tpu.memref_squeeze %dma_start3A_248 : memref<1x128xi32, #tpu.memory_space<vmem>> -> memref<128xi32, #tpu.memory_space<vmem>>
    %dma_start3A_250 = arith.constant 0 : i32
    %dma_start3A_251 = tpu.memref_slice %arg27[%dma_start3A_250] : memref<1000000xf32, #tpu.memory_space<hbm>> -> memref<1000000xf32, #tpu.memory_space<hbm>>
    tpu.enqueue_indirect_dma source(%dma_start3A_251 : memref<1000000xf32, #tpu.memory_space<hbm>>) target(%dma_start3A_246 : memref<128xf32, #tpu.memory_space<vmem>>) offsets(%dma_start3A_249 : memref<128xi32, #tpu.memory_space<vmem>>) semaphore(%arg38 : memref<!tpu.dma_semaphore, #tpu.memory_space<semaphore_mem>>)
    %dma_start3A_252 = arith.constant 24 : i32
    %dma_start3A_253 = arith.constant 24 : i32
    %dma_start3A_254 = arith.constant 0 : i32
    %dma_start3A_255 = tpu.memref_slice %arg36[%dma_start3A_253, %dma_start3A_254] : memref<26x128xf32, #tpu.memory_space<vmem>> -> memref<1x128xf32, #tpu.memory_space<vmem>>
    %dma_start3A_256 = tpu.memref_squeeze %dma_start3A_255 : memref<1x128xf32, #tpu.memory_space<vmem>> -> memref<128xf32, #tpu.memory_space<vmem>>
    %dma_start3A_257 = arith.constant 0 : i32
    %dma_start3A_258 = tpu.memref_slice %arg35[%dma_start3A_252, %dma_start3A_257] : memref<26x128xi32, #tpu.memory_space<vmem>> -> memref<1x128xi32, #tpu.memory_space<vmem>>
    %dma_start3A_259 = tpu.memref_squeeze %dma_start3A_258 : memref<1x128xi32, #tpu.memory_space<vmem>> -> memref<128xi32, #tpu.memory_space<vmem>>
    %dma_start3A_260 = arith.constant 0 : i32
    %dma_start3A_261 = tpu.memref_slice %arg28[%dma_start3A_260] : memref<1000000xf32, #tpu.memory_space<hbm>> -> memref<1000000xf32, #tpu.memory_space<hbm>>
    tpu.enqueue_indirect_dma source(%dma_start3A_261 : memref<1000000xf32, #tpu.memory_space<hbm>>) target(%dma_start3A_256 : memref<128xf32, #tpu.memory_space<vmem>>) offsets(%dma_start3A_259 : memref<128xi32, #tpu.memory_space<vmem>>) semaphore(%arg38 : memref<!tpu.dma_semaphore, #tpu.memory_space<semaphore_mem>>)
    %dma_start3A_262 = arith.constant 25 : i32
    %dma_start3A_263 = arith.constant 25 : i32
    %dma_start3A_264 = arith.constant 0 : i32
    %dma_start3A_265 = tpu.memref_slice %arg36[%dma_start3A_263, %dma_start3A_264] : memref<26x128xf32, #tpu.memory_space<vmem>> -> memref<1x128xf32, #tpu.memory_space<vmem>>
    %dma_start3A_266 = tpu.memref_squeeze %dma_start3A_265 : memref<1x128xf32, #tpu.memory_space<vmem>> -> memref<128xf32, #tpu.memory_space<vmem>>
    %dma_start3A_267 = arith.constant 0 : i32
    %dma_start3A_268 = tpu.memref_slice %arg35[%dma_start3A_262, %dma_start3A_267] : memref<26x128xi32, #tpu.memory_space<vmem>> -> memref<1x128xi32, #tpu.memory_space<vmem>>
    %dma_start3A_269 = tpu.memref_squeeze %dma_start3A_268 : memref<1x128xi32, #tpu.memory_space<vmem>> -> memref<128xi32, #tpu.memory_space<vmem>>
    %dma_start3A_270 = arith.constant 0 : i32
    %dma_start3A_271 = tpu.memref_slice %arg29[%dma_start3A_270] : memref<1000000xf32, #tpu.memory_space<hbm>> -> memref<1000000xf32, #tpu.memory_space<hbm>>
    tpu.enqueue_indirect_dma source(%dma_start3A_271 : memref<1000000xf32, #tpu.memory_space<hbm>>) target(%dma_start3A_266 : memref<128xf32, #tpu.memory_space<vmem>>) offsets(%dma_start3A_269 : memref<128xi32, #tpu.memory_space<vmem>>) semaphore(%arg38 : memref<!tpu.dma_semaphore, #tpu.memory_space<semaphore_mem>>)
    %dma_wait3A = arith.constant 0 : i32
    %dma_wait3A_272 = arith.constant 0 : i32
    %dma_wait3A_273 = arith.constant 0 : i32
    %dma_wait3A_274 = tpu.memref_slice %arg36[%dma_wait3A_272, %dma_wait3A_273] : memref<26x128xf32, #tpu.memory_space<vmem>> -> memref<1x128xf32, #tpu.memory_space<vmem>>
    %dma_wait3A_275 = tpu.memref_squeeze %dma_wait3A_274 : memref<1x128xf32, #tpu.memory_space<vmem>> -> memref<128xf32, #tpu.memory_space<vmem>>
    %dma_wait3A_276 = arith.constant 0 : i32
    %dma_wait3A_277 = tpu.memref_slice %arg35[%dma_wait3A, %dma_wait3A_276] : memref<26x128xi32, #tpu.memory_space<vmem>> -> memref<1x128xi32, #tpu.memory_space<vmem>>
    %dma_wait3A_278 = tpu.memref_squeeze %dma_wait3A_277 : memref<1x128xi32, #tpu.memory_space<vmem>> -> memref<128xi32, #tpu.memory_space<vmem>>
    %dma_wait3A_279 = arith.constant 0 : i32
    %dma_wait3A_280 = tpu.memref_slice %arg4[%dma_wait3A_279] : memref<1000000xf32, #tpu.memory_space<hbm>> -> memref<1000000xf32, #tpu.memory_space<hbm>>
    tpu.wait_indirect_dma semaphore(%arg38 : memref<!tpu.dma_semaphore, #tpu.memory_space<semaphore_mem>>) src(%dma_wait3A_280 : memref<1000000xf32, #tpu.memory_space<hbm>>) dst(%dma_wait3A_275 : memref<128xf32, #tpu.memory_space<vmem>>)
    %dma_wait3A_281 = arith.constant 1 : i32
    %dma_wait3A_282 = arith.constant 1 : i32
    %dma_wait3A_283 = arith.constant 0 : i32
    %dma_wait3A_284 = tpu.memref_slice %arg36[%dma_wait3A_282, %dma_wait3A_283] : memref<26x128xf32, #tpu.memory_space<vmem>> -> memref<1x128xf32, #tpu.memory_space<vmem>>
    %dma_wait3A_285 = tpu.memref_squeeze %dma_wait3A_284 : memref<1x128xf32, #tpu.memory_space<vmem>> -> memref<128xf32, #tpu.memory_space<vmem>>
    %dma_wait3A_286 = arith.constant 0 : i32
    %dma_wait3A_287 = tpu.memref_slice %arg35[%dma_wait3A_281, %dma_wait3A_286] : memref<26x128xi32, #tpu.memory_space<vmem>> -> memref<1x128xi32, #tpu.memory_space<vmem>>
    %dma_wait3A_288 = tpu.memref_squeeze %dma_wait3A_287 : memref<1x128xi32, #tpu.memory_space<vmem>> -> memref<128xi32, #tpu.memory_space<vmem>>
    %dma_wait3A_289 = arith.constant 0 : i32
    %dma_wait3A_290 = tpu.memref_slice %arg5[%dma_wait3A_289] : memref<1000000xf32, #tpu.memory_space<hbm>> -> memref<1000000xf32, #tpu.memory_space<hbm>>
    tpu.wait_indirect_dma semaphore(%arg38 : memref<!tpu.dma_semaphore, #tpu.memory_space<semaphore_mem>>) src(%dma_wait3A_290 : memref<1000000xf32, #tpu.memory_space<hbm>>) dst(%dma_wait3A_285 : memref<128xf32, #tpu.memory_space<vmem>>)
    %dma_wait3A_291 = arith.constant 2 : i32
    %dma_wait3A_292 = arith.constant 2 : i32
    %dma_wait3A_293 = arith.constant 0 : i32
    %dma_wait3A_294 = tpu.memref_slice %arg36[%dma_wait3A_292, %dma_wait3A_293] : memref<26x128xf32, #tpu.memory_space<vmem>> -> memref<1x128xf32, #tpu.memory_space<vmem>>
    %dma_wait3A_295 = tpu.memref_squeeze %dma_wait3A_294 : memref<1x128xf32, #tpu.memory_space<vmem>> -> memref<128xf32, #tpu.memory_space<vmem>>
    %dma_wait3A_296 = arith.constant 0 : i32
    %dma_wait3A_297 = tpu.memref_slice %arg35[%dma_wait3A_291, %dma_wait3A_296] : memref<26x128xi32, #tpu.memory_space<vmem>> -> memref<1x128xi32, #tpu.memory_space<vmem>>
    %dma_wait3A_298 = tpu.memref_squeeze %dma_wait3A_297 : memref<1x128xi32, #tpu.memory_space<vmem>> -> memref<128xi32, #tpu.memory_space<vmem>>
    %dma_wait3A_299 = arith.constant 0 : i32
    %dma_wait3A_300 = tpu.memref_slice %arg6[%dma_wait3A_299] : memref<1000000xf32, #tpu.memory_space<hbm>> -> memref<1000000xf32, #tpu.memory_space<hbm>>
    tpu.wait_indirect_dma semaphore(%arg38 : memref<!tpu.dma_semaphore, #tpu.memory_space<semaphore_mem>>) src(%dma_wait3A_300 : memref<1000000xf32, #tpu.memory_space<hbm>>) dst(%dma_wait3A_295 : memref<128xf32, #tpu.memory_space<vmem>>)
    %dma_wait3A_301 = arith.constant 3 : i32
    %dma_wait3A_302 = arith.constant 3 : i32
    %dma_wait3A_303 = arith.constant 0 : i32
    %dma_wait3A_304 = tpu.memref_slice %arg36[%dma_wait3A_302, %dma_wait3A_303] : memref<26x128xf32, #tpu.memory_space<vmem>> -> memref<1x128xf32, #tpu.memory_space<vmem>>
    %dma_wait3A_305 = tpu.memref_squeeze %dma_wait3A_304 : memref<1x128xf32, #tpu.memory_space<vmem>> -> memref<128xf32, #tpu.memory_space<vmem>>
    %dma_wait3A_306 = arith.constant 0 : i32
    %dma_wait3A_307 = tpu.memref_slice %arg35[%dma_wait3A_301, %dma_wait3A_306] : memref<26x128xi32, #tpu.memory_space<vmem>> -> memref<1x128xi32, #tpu.memory_space<vmem>>
    %dma_wait3A_308 = tpu.memref_squeeze %dma_wait3A_307 : memref<1x128xi32, #tpu.memory_space<vmem>> -> memref<128xi32, #tpu.memory_space<vmem>>
    %dma_wait3A_309 = arith.constant 0 : i32
    %dma_wait3A_310 = tpu.memref_slice %arg7[%dma_wait3A_309] : memref<1000000xf32, #tpu.memory_space<hbm>> -> memref<1000000xf32, #tpu.memory_space<hbm>>
    tpu.wait_indirect_dma semaphore(%arg38 : memref<!tpu.dma_semaphore, #tpu.memory_space<semaphore_mem>>) src(%dma_wait3A_310 : memref<1000000xf32, #tpu.memory_space<hbm>>) dst(%dma_wait3A_305 : memref<128xf32, #tpu.memory_space<vmem>>)
    %dma_wait3A_311 = arith.constant 4 : i32
    %dma_wait3A_312 = arith.constant 4 : i32
    %dma_wait3A_313 = arith.constant 0 : i32
    %dma_wait3A_314 = tpu.memref_slice %arg36[%dma_wait3A_312, %dma_wait3A_313] : memref<26x128xf32, #tpu.memory_space<vmem>> -> memref<1x128xf32, #tpu.memory_space<vmem>>
    %dma_wait3A_315 = tpu.memref_squeeze %dma_wait3A_314 : memref<1x128xf32, #tpu.memory_space<vmem>> -> memref<128xf32, #tpu.memory_space<vmem>>
    %dma_wait3A_316 = arith.constant 0 : i32
    %dma_wait3A_317 = tpu.memref_slice %arg35[%dma_wait3A_311, %dma_wait3A_316] : memref<26x128xi32, #tpu.memory_space<vmem>> -> memref<1x128xi32, #tpu.memory_space<vmem>>
    %dma_wait3A_318 = tpu.memref_squeeze %dma_wait3A_317 : memref<1x128xi32, #tpu.memory_space<vmem>> -> memref<128xi32, #tpu.memory_space<vmem>>
    %dma_wait3A_319 = arith.constant 0 : i32
    %dma_wait3A_320 = tpu.memref_slice %arg8[%dma_wait3A_319] : memref<1000000xf32, #tpu.memory_space<hbm>> -> memref<1000000xf32, #tpu.memory_space<hbm>>
    tpu.wait_indirect_dma semaphore(%arg38 : memref<!tpu.dma_semaphore, #tpu.memory_space<semaphore_mem>>) src(%dma_wait3A_320 : memref<1000000xf32, #tpu.memory_space<hbm>>) dst(%dma_wait3A_315 : memref<128xf32, #tpu.memory_space<vmem>>)
    %dma_wait3A_321 = arith.constant 5 : i32
    %dma_wait3A_322 = arith.constant 5 : i32
    %dma_wait3A_323 = arith.constant 0 : i32
    %dma_wait3A_324 = tpu.memref_slice %arg36[%dma_wait3A_322, %dma_wait3A_323] : memref<26x128xf32, #tpu.memory_space<vmem>> -> memref<1x128xf32, #tpu.memory_space<vmem>>
    %dma_wait3A_325 = tpu.memref_squeeze %dma_wait3A_324 : memref<1x128xf32, #tpu.memory_space<vmem>> -> memref<128xf32, #tpu.memory_space<vmem>>
    %dma_wait3A_326 = arith.constant 0 : i32
    %dma_wait3A_327 = tpu.memref_slice %arg35[%dma_wait3A_321, %dma_wait3A_326] : memref<26x128xi32, #tpu.memory_space<vmem>> -> memref<1x128xi32, #tpu.memory_space<vmem>>
    %dma_wait3A_328 = tpu.memref_squeeze %dma_wait3A_327 : memref<1x128xi32, #tpu.memory_space<vmem>> -> memref<128xi32, #tpu.memory_space<vmem>>
    %dma_wait3A_329 = arith.constant 0 : i32
    %dma_wait3A_330 = tpu.memref_slice %arg9[%dma_wait3A_329] : memref<1000000xf32, #tpu.memory_space<hbm>> -> memref<1000000xf32, #tpu.memory_space<hbm>>
    tpu.wait_indirect_dma semaphore(%arg38 : memref<!tpu.dma_semaphore, #tpu.memory_space<semaphore_mem>>) src(%dma_wait3A_330 : memref<1000000xf32, #tpu.memory_space<hbm>>) dst(%dma_wait3A_325 : memref<128xf32, #tpu.memory_space<vmem>>)
    %dma_wait3A_331 = arith.constant 6 : i32
    %dma_wait3A_332 = arith.constant 6 : i32
    %dma_wait3A_333 = arith.constant 0 : i32
    %dma_wait3A_334 = tpu.memref_slice %arg36[%dma_wait3A_332, %dma_wait3A_333] : memref<26x128xf32, #tpu.memory_space<vmem>> -> memref<1x128xf32, #tpu.memory_space<vmem>>
    %dma_wait3A_335 = tpu.memref_squeeze %dma_wait3A_334 : memref<1x128xf32, #tpu.memory_space<vmem>> -> memref<128xf32, #tpu.memory_space<vmem>>
    %dma_wait3A_336 = arith.constant 0 : i32
    %dma_wait3A_337 = tpu.memref_slice %arg35[%dma_wait3A_331, %dma_wait3A_336] : memref<26x128xi32, #tpu.memory_space<vmem>> -> memref<1x128xi32, #tpu.memory_space<vmem>>
    %dma_wait3A_338 = tpu.memref_squeeze %dma_wait3A_337 : memref<1x128xi32, #tpu.memory_space<vmem>> -> memref<128xi32, #tpu.memory_space<vmem>>
    %dma_wait3A_339 = arith.constant 0 : i32
    %dma_wait3A_340 = tpu.memref_slice %arg10[%dma_wait3A_339] : memref<1000000xf32, #tpu.memory_space<hbm>> -> memref<1000000xf32, #tpu.memory_space<hbm>>
    tpu.wait_indirect_dma semaphore(%arg38 : memref<!tpu.dma_semaphore, #tpu.memory_space<semaphore_mem>>) src(%dma_wait3A_340 : memref<1000000xf32, #tpu.memory_space<hbm>>) dst(%dma_wait3A_335 : memref<128xf32, #tpu.memory_space<vmem>>)
    %dma_wait3A_341 = arith.constant 7 : i32
    %dma_wait3A_342 = arith.constant 7 : i32
    %dma_wait3A_343 = arith.constant 0 : i32
    %dma_wait3A_344 = tpu.memref_slice %arg36[%dma_wait3A_342, %dma_wait3A_343] : memref<26x128xf32, #tpu.memory_space<vmem>> -> memref<1x128xf32, #tpu.memory_space<vmem>>
    %dma_wait3A_345 = tpu.memref_squeeze %dma_wait3A_344 : memref<1x128xf32, #tpu.memory_space<vmem>> -> memref<128xf32, #tpu.memory_space<vmem>>
    %dma_wait3A_346 = arith.constant 0 : i32
    %dma_wait3A_347 = tpu.memref_slice %arg35[%dma_wait3A_341, %dma_wait3A_346] : memref<26x128xi32, #tpu.memory_space<vmem>> -> memref<1x128xi32, #tpu.memory_space<vmem>>
    %dma_wait3A_348 = tpu.memref_squeeze %dma_wait3A_347 : memref<1x128xi32, #tpu.memory_space<vmem>> -> memref<128xi32, #tpu.memory_space<vmem>>
    %dma_wait3A_349 = arith.constant 0 : i32
    %dma_wait3A_350 = tpu.memref_slice %arg11[%dma_wait3A_349] : memref<1000000xf32, #tpu.memory_space<hbm>> -> memref<1000000xf32, #tpu.memory_space<hbm>>
    tpu.wait_indirect_dma semaphore(%arg38 : memref<!tpu.dma_semaphore, #tpu.memory_space<semaphore_mem>>) src(%dma_wait3A_350 : memref<1000000xf32, #tpu.memory_space<hbm>>) dst(%dma_wait3A_345 : memref<128xf32, #tpu.memory_space<vmem>>)
    %dma_wait3A_351 = arith.constant 8 : i32
    %dma_wait3A_352 = arith.constant 8 : i32
    %dma_wait3A_353 = arith.constant 0 : i32
    %dma_wait3A_354 = tpu.memref_slice %arg36[%dma_wait3A_352, %dma_wait3A_353] : memref<26x128xf32, #tpu.memory_space<vmem>> -> memref<1x128xf32, #tpu.memory_space<vmem>>
    %dma_wait3A_355 = tpu.memref_squeeze %dma_wait3A_354 : memref<1x128xf32, #tpu.memory_space<vmem>> -> memref<128xf32, #tpu.memory_space<vmem>>
    %dma_wait3A_356 = arith.constant 0 : i32
    %dma_wait3A_357 = tpu.memref_slice %arg35[%dma_wait3A_351, %dma_wait3A_356] : memref<26x128xi32, #tpu.memory_space<vmem>> -> memref<1x128xi32, #tpu.memory_space<vmem>>
    %dma_wait3A_358 = tpu.memref_squeeze %dma_wait3A_357 : memref<1x128xi32, #tpu.memory_space<vmem>> -> memref<128xi32, #tpu.memory_space<vmem>>
    %dma_wait3A_359 = arith.constant 0 : i32
    %dma_wait3A_360 = tpu.memref_slice %arg12[%dma_wait3A_359] : memref<1000000xf32, #tpu.memory_space<hbm>> -> memref<1000000xf32, #tpu.memory_space<hbm>>
    tpu.wait_indirect_dma semaphore(%arg38 : memref<!tpu.dma_semaphore, #tpu.memory_space<semaphore_mem>>) src(%dma_wait3A_360 : memref<1000000xf32, #tpu.memory_space<hbm>>) dst(%dma_wait3A_355 : memref<128xf32, #tpu.memory_space<vmem>>)
    %dma_wait3A_361 = arith.constant 9 : i32
    %dma_wait3A_362 = arith.constant 9 : i32
    %dma_wait3A_363 = arith.constant 0 : i32
    %dma_wait3A_364 = tpu.memref_slice %arg36[%dma_wait3A_362, %dma_wait3A_363] : memref<26x128xf32, #tpu.memory_space<vmem>> -> memref<1x128xf32, #tpu.memory_space<vmem>>
    %dma_wait3A_365 = tpu.memref_squeeze %dma_wait3A_364 : memref<1x128xf32, #tpu.memory_space<vmem>> -> memref<128xf32, #tpu.memory_space<vmem>>
    %dma_wait3A_366 = arith.constant 0 : i32
    %dma_wait3A_367 = tpu.memref_slice %arg35[%dma_wait3A_361, %dma_wait3A_366] : memref<26x128xi32, #tpu.memory_space<vmem>> -> memref<1x128xi32, #tpu.memory_space<vmem>>
    %dma_wait3A_368 = tpu.memref_squeeze %dma_wait3A_367 : memref<1x128xi32, #tpu.memory_space<vmem>> -> memref<128xi32, #tpu.memory_space<vmem>>
    %dma_wait3A_369 = arith.constant 0 : i32
    %dma_wait3A_370 = tpu.memref_slice %arg13[%dma_wait3A_369] : memref<1000000xf32, #tpu.memory_space<hbm>> -> memref<1000000xf32, #tpu.memory_space<hbm>>
    tpu.wait_indirect_dma semaphore(%arg38 : memref<!tpu.dma_semaphore, #tpu.memory_space<semaphore_mem>>) src(%dma_wait3A_370 : memref<1000000xf32, #tpu.memory_space<hbm>>) dst(%dma_wait3A_365 : memref<128xf32, #tpu.memory_space<vmem>>)
    %dma_wait3A_371 = arith.constant 10 : i32
    %dma_wait3A_372 = arith.constant 10 : i32
    %dma_wait3A_373 = arith.constant 0 : i32
    %dma_wait3A_374 = tpu.memref_slice %arg36[%dma_wait3A_372, %dma_wait3A_373] : memref<26x128xf32, #tpu.memory_space<vmem>> -> memref<1x128xf32, #tpu.memory_space<vmem>>
    %dma_wait3A_375 = tpu.memref_squeeze %dma_wait3A_374 : memref<1x128xf32, #tpu.memory_space<vmem>> -> memref<128xf32, #tpu.memory_space<vmem>>
    %dma_wait3A_376 = arith.constant 0 : i32
    %dma_wait3A_377 = tpu.memref_slice %arg35[%dma_wait3A_371, %dma_wait3A_376] : memref<26x128xi32, #tpu.memory_space<vmem>> -> memref<1x128xi32, #tpu.memory_space<vmem>>
    %dma_wait3A_378 = tpu.memref_squeeze %dma_wait3A_377 : memref<1x128xi32, #tpu.memory_space<vmem>> -> memref<128xi32, #tpu.memory_space<vmem>>
    %dma_wait3A_379 = arith.constant 0 : i32
    %dma_wait3A_380 = tpu.memref_slice %arg14[%dma_wait3A_379] : memref<1000000xf32, #tpu.memory_space<hbm>> -> memref<1000000xf32, #tpu.memory_space<hbm>>
    tpu.wait_indirect_dma semaphore(%arg38 : memref<!tpu.dma_semaphore, #tpu.memory_space<semaphore_mem>>) src(%dma_wait3A_380 : memref<1000000xf32, #tpu.memory_space<hbm>>) dst(%dma_wait3A_375 : memref<128xf32, #tpu.memory_space<vmem>>)
    %dma_wait3A_381 = arith.constant 11 : i32
    %dma_wait3A_382 = arith.constant 11 : i32
    %dma_wait3A_383 = arith.constant 0 : i32
    %dma_wait3A_384 = tpu.memref_slice %arg36[%dma_wait3A_382, %dma_wait3A_383] : memref<26x128xf32, #tpu.memory_space<vmem>> -> memref<1x128xf32, #tpu.memory_space<vmem>>
    %dma_wait3A_385 = tpu.memref_squeeze %dma_wait3A_384 : memref<1x128xf32, #tpu.memory_space<vmem>> -> memref<128xf32, #tpu.memory_space<vmem>>
    %dma_wait3A_386 = arith.constant 0 : i32
    %dma_wait3A_387 = tpu.memref_slice %arg35[%dma_wait3A_381, %dma_wait3A_386] : memref<26x128xi32, #tpu.memory_space<vmem>> -> memref<1x128xi32, #tpu.memory_space<vmem>>
    %dma_wait3A_388 = tpu.memref_squeeze %dma_wait3A_387 : memref<1x128xi32, #tpu.memory_space<vmem>> -> memref<128xi32, #tpu.memory_space<vmem>>
    %dma_wait3A_389 = arith.constant 0 : i32
    %dma_wait3A_390 = tpu.memref_slice %arg15[%dma_wait3A_389] : memref<1000000xf32, #tpu.memory_space<hbm>> -> memref<1000000xf32, #tpu.memory_space<hbm>>
    tpu.wait_indirect_dma semaphore(%arg38 : memref<!tpu.dma_semaphore, #tpu.memory_space<semaphore_mem>>) src(%dma_wait3A_390 : memref<1000000xf32, #tpu.memory_space<hbm>>) dst(%dma_wait3A_385 : memref<128xf32, #tpu.memory_space<vmem>>)
    %dma_wait3A_391 = arith.constant 12 : i32
    %dma_wait3A_392 = arith.constant 12 : i32
    %dma_wait3A_393 = arith.constant 0 : i32
    %dma_wait3A_394 = tpu.memref_slice %arg36[%dma_wait3A_392, %dma_wait3A_393] : memref<26x128xf32, #tpu.memory_space<vmem>> -> memref<1x128xf32, #tpu.memory_space<vmem>>
    %dma_wait3A_395 = tpu.memref_squeeze %dma_wait3A_394 : memref<1x128xf32, #tpu.memory_space<vmem>> -> memref<128xf32, #tpu.memory_space<vmem>>
    %dma_wait3A_396 = arith.constant 0 : i32
    %dma_wait3A_397 = tpu.memref_slice %arg35[%dma_wait3A_391, %dma_wait3A_396] : memref<26x128xi32, #tpu.memory_space<vmem>> -> memref<1x128xi32, #tpu.memory_space<vmem>>
    %dma_wait3A_398 = tpu.memref_squeeze %dma_wait3A_397 : memref<1x128xi32, #tpu.memory_space<vmem>> -> memref<128xi32, #tpu.memory_space<vmem>>
    %dma_wait3A_399 = arith.constant 0 : i32
    %dma_wait3A_400 = tpu.memref_slice %arg16[%dma_wait3A_399] : memref<1000000xf32, #tpu.memory_space<hbm>> -> memref<1000000xf32, #tpu.memory_space<hbm>>
    tpu.wait_indirect_dma semaphore(%arg38 : memref<!tpu.dma_semaphore, #tpu.memory_space<semaphore_mem>>) src(%dma_wait3A_400 : memref<1000000xf32, #tpu.memory_space<hbm>>) dst(%dma_wait3A_395 : memref<128xf32, #tpu.memory_space<vmem>>)
    %dma_wait3A_401 = arith.constant 13 : i32
    %dma_wait3A_402 = arith.constant 13 : i32
    %dma_wait3A_403 = arith.constant 0 : i32
    %dma_wait3A_404 = tpu.memref_slice %arg36[%dma_wait3A_402, %dma_wait3A_403] : memref<26x128xf32, #tpu.memory_space<vmem>> -> memref<1x128xf32, #tpu.memory_space<vmem>>
    %dma_wait3A_405 = tpu.memref_squeeze %dma_wait3A_404 : memref<1x128xf32, #tpu.memory_space<vmem>> -> memref<128xf32, #tpu.memory_space<vmem>>
    %dma_wait3A_406 = arith.constant 0 : i32
    %dma_wait3A_407 = tpu.memref_slice %arg35[%dma_wait3A_401, %dma_wait3A_406] : memref<26x128xi32, #tpu.memory_space<vmem>> -> memref<1x128xi32, #tpu.memory_space<vmem>>
    %dma_wait3A_408 = tpu.memref_squeeze %dma_wait3A_407 : memref<1x128xi32, #tpu.memory_space<vmem>> -> memref<128xi32, #tpu.memory_space<vmem>>
    %dma_wait3A_409 = arith.constant 0 : i32
    %dma_wait3A_410 = tpu.memref_slice %arg17[%dma_wait3A_409] : memref<1000000xf32, #tpu.memory_space<hbm>> -> memref<1000000xf32, #tpu.memory_space<hbm>>
    tpu.wait_indirect_dma semaphore(%arg38 : memref<!tpu.dma_semaphore, #tpu.memory_space<semaphore_mem>>) src(%dma_wait3A_410 : memref<1000000xf32, #tpu.memory_space<hbm>>) dst(%dma_wait3A_405 : memref<128xf32, #tpu.memory_space<vmem>>)
    %dma_wait3A_411 = arith.constant 14 : i32
    %dma_wait3A_412 = arith.constant 14 : i32
    %dma_wait3A_413 = arith.constant 0 : i32
    %dma_wait3A_414 = tpu.memref_slice %arg36[%dma_wait3A_412, %dma_wait3A_413] : memref<26x128xf32, #tpu.memory_space<vmem>> -> memref<1x128xf32, #tpu.memory_space<vmem>>
    %dma_wait3A_415 = tpu.memref_squeeze %dma_wait3A_414 : memref<1x128xf32, #tpu.memory_space<vmem>> -> memref<128xf32, #tpu.memory_space<vmem>>
    %dma_wait3A_416 = arith.constant 0 : i32
    %dma_wait3A_417 = tpu.memref_slice %arg35[%dma_wait3A_411, %dma_wait3A_416] : memref<26x128xi32, #tpu.memory_space<vmem>> -> memref<1x128xi32, #tpu.memory_space<vmem>>
    %dma_wait3A_418 = tpu.memref_squeeze %dma_wait3A_417 : memref<1x128xi32, #tpu.memory_space<vmem>> -> memref<128xi32, #tpu.memory_space<vmem>>
    %dma_wait3A_419 = arith.constant 0 : i32
    %dma_wait3A_420 = tpu.memref_slice %arg18[%dma_wait3A_419] : memref<1000000xf32, #tpu.memory_space<hbm>> -> memref<1000000xf32, #tpu.memory_space<hbm>>
    tpu.wait_indirect_dma semaphore(%arg38 : memref<!tpu.dma_semaphore, #tpu.memory_space<semaphore_mem>>) src(%dma_wait3A_420 : memref<1000000xf32, #tpu.memory_space<hbm>>) dst(%dma_wait3A_415 : memref<128xf32, #tpu.memory_space<vmem>>)
    %dma_wait3A_421 = arith.constant 15 : i32
    %dma_wait3A_422 = arith.constant 15 : i32
    %dma_wait3A_423 = arith.constant 0 : i32
    %dma_wait3A_424 = tpu.memref_slice %arg36[%dma_wait3A_422, %dma_wait3A_423] : memref<26x128xf32, #tpu.memory_space<vmem>> -> memref<1x128xf32, #tpu.memory_space<vmem>>
    %dma_wait3A_425 = tpu.memref_squeeze %dma_wait3A_424 : memref<1x128xf32, #tpu.memory_space<vmem>> -> memref<128xf32, #tpu.memory_space<vmem>>
    %dma_wait3A_426 = arith.constant 0 : i32
    %dma_wait3A_427 = tpu.memref_slice %arg35[%dma_wait3A_421, %dma_wait3A_426] : memref<26x128xi32, #tpu.memory_space<vmem>> -> memref<1x128xi32, #tpu.memory_space<vmem>>
    %dma_wait3A_428 = tpu.memref_squeeze %dma_wait3A_427 : memref<1x128xi32, #tpu.memory_space<vmem>> -> memref<128xi32, #tpu.memory_space<vmem>>
    %dma_wait3A_429 = arith.constant 0 : i32
    %dma_wait3A_430 = tpu.memref_slice %arg19[%dma_wait3A_429] : memref<1000000xf32, #tpu.memory_space<hbm>> -> memref<1000000xf32, #tpu.memory_space<hbm>>
    tpu.wait_indirect_dma semaphore(%arg38 : memref<!tpu.dma_semaphore, #tpu.memory_space<semaphore_mem>>) src(%dma_wait3A_430 : memref<1000000xf32, #tpu.memory_space<hbm>>) dst(%dma_wait3A_425 : memref<128xf32, #tpu.memory_space<vmem>>)
    %dma_wait3A_431 = arith.constant 16 : i32
    %dma_wait3A_432 = arith.constant 16 : i32
    %dma_wait3A_433 = arith.constant 0 : i32
    %dma_wait3A_434 = tpu.memref_slice %arg36[%dma_wait3A_432, %dma_wait3A_433] : memref<26x128xf32, #tpu.memory_space<vmem>> -> memref<1x128xf32, #tpu.memory_space<vmem>>
    %dma_wait3A_435 = tpu.memref_squeeze %dma_wait3A_434 : memref<1x128xf32, #tpu.memory_space<vmem>> -> memref<128xf32, #tpu.memory_space<vmem>>
    %dma_wait3A_436 = arith.constant 0 : i32
    %dma_wait3A_437 = tpu.memref_slice %arg35[%dma_wait3A_431, %dma_wait3A_436] : memref<26x128xi32, #tpu.memory_space<vmem>> -> memref<1x128xi32, #tpu.memory_space<vmem>>
    %dma_wait3A_438 = tpu.memref_squeeze %dma_wait3A_437 : memref<1x128xi32, #tpu.memory_space<vmem>> -> memref<128xi32, #tpu.memory_space<vmem>>
    %dma_wait3A_439 = arith.constant 0 : i32
    %dma_wait3A_440 = tpu.memref_slice %arg20[%dma_wait3A_439] : memref<1000000xf32, #tpu.memory_space<hbm>> -> memref<1000000xf32, #tpu.memory_space<hbm>>
    tpu.wait_indirect_dma semaphore(%arg38 : memref<!tpu.dma_semaphore, #tpu.memory_space<semaphore_mem>>) src(%dma_wait3A_440 : memref<1000000xf32, #tpu.memory_space<hbm>>) dst(%dma_wait3A_435 : memref<128xf32, #tpu.memory_space<vmem>>)
    %dma_wait3A_441 = arith.constant 17 : i32
    %dma_wait3A_442 = arith.constant 17 : i32
    %dma_wait3A_443 = arith.constant 0 : i32
    %dma_wait3A_444 = tpu.memref_slice %arg36[%dma_wait3A_442, %dma_wait3A_443] : memref<26x128xf32, #tpu.memory_space<vmem>> -> memref<1x128xf32, #tpu.memory_space<vmem>>
    %dma_wait3A_445 = tpu.memref_squeeze %dma_wait3A_444 : memref<1x128xf32, #tpu.memory_space<vmem>> -> memref<128xf32, #tpu.memory_space<vmem>>
    %dma_wait3A_446 = arith.constant 0 : i32
    %dma_wait3A_447 = tpu.memref_slice %arg35[%dma_wait3A_441, %dma_wait3A_446] : memref<26x128xi32, #tpu.memory_space<vmem>> -> memref<1x128xi32, #tpu.memory_space<vmem>>
    %dma_wait3A_448 = tpu.memref_squeeze %dma_wait3A_447 : memref<1x128xi32, #tpu.memory_space<vmem>> -> memref<128xi32, #tpu.memory_space<vmem>>
    %dma_wait3A_449 = arith.constant 0 : i32
    %dma_wait3A_450 = tpu.memref_slice %arg21[%dma_wait3A_449] : memref<1000000xf32, #tpu.memory_space<hbm>> -> memref<1000000xf32, #tpu.memory_space<hbm>>
    tpu.wait_indirect_dma semaphore(%arg38 : memref<!tpu.dma_semaphore, #tpu.memory_space<semaphore_mem>>) src(%dma_wait3A_450 : memref<1000000xf32, #tpu.memory_space<hbm>>) dst(%dma_wait3A_445 : memref<128xf32, #tpu.memory_space<vmem>>)
    %dma_wait3A_451 = arith.constant 18 : i32
    %dma_wait3A_452 = arith.constant 18 : i32
    %dma_wait3A_453 = arith.constant 0 : i32
    %dma_wait3A_454 = tpu.memref_slice %arg36[%dma_wait3A_452, %dma_wait3A_453] : memref<26x128xf32, #tpu.memory_space<vmem>> -> memref<1x128xf32, #tpu.memory_space<vmem>>
    %dma_wait3A_455 = tpu.memref_squeeze %dma_wait3A_454 : memref<1x128xf32, #tpu.memory_space<vmem>> -> memref<128xf32, #tpu.memory_space<vmem>>
    %dma_wait3A_456 = arith.constant 0 : i32
    %dma_wait3A_457 = tpu.memref_slice %arg35[%dma_wait3A_451, %dma_wait3A_456] : memref<26x128xi32, #tpu.memory_space<vmem>> -> memref<1x128xi32, #tpu.memory_space<vmem>>
    %dma_wait3A_458 = tpu.memref_squeeze %dma_wait3A_457 : memref<1x128xi32, #tpu.memory_space<vmem>> -> memref<128xi32, #tpu.memory_space<vmem>>
    %dma_wait3A_459 = arith.constant 0 : i32
    %dma_wait3A_460 = tpu.memref_slice %arg22[%dma_wait3A_459] : memref<1000000xf32, #tpu.memory_space<hbm>> -> memref<1000000xf32, #tpu.memory_space<hbm>>
    tpu.wait_indirect_dma semaphore(%arg38 : memref<!tpu.dma_semaphore, #tpu.memory_space<semaphore_mem>>) src(%dma_wait3A_460 : memref<1000000xf32, #tpu.memory_space<hbm>>) dst(%dma_wait3A_455 : memref<128xf32, #tpu.memory_space<vmem>>)
    %dma_wait3A_461 = arith.constant 19 : i32
    %dma_wait3A_462 = arith.constant 19 : i32
    %dma_wait3A_463 = arith.constant 0 : i32
    %dma_wait3A_464 = tpu.memref_slice %arg36[%dma_wait3A_462, %dma_wait3A_463] : memref<26x128xf32, #tpu.memory_space<vmem>> -> memref<1x128xf32, #tpu.memory_space<vmem>>
    %dma_wait3A_465 = tpu.memref_squeeze %dma_wait3A_464 : memref<1x128xf32, #tpu.memory_space<vmem>> -> memref<128xf32, #tpu.memory_space<vmem>>
    %dma_wait3A_466 = arith.constant 0 : i32
    %dma_wait3A_467 = tpu.memref_slice %arg35[%dma_wait3A_461, %dma_wait3A_466] : memref<26x128xi32, #tpu.memory_space<vmem>> -> memref<1x128xi32, #tpu.memory_space<vmem>>
    %dma_wait3A_468 = tpu.memref_squeeze %dma_wait3A_467 : memref<1x128xi32, #tpu.memory_space<vmem>> -> memref<128xi32, #tpu.memory_space<vmem>>
    %dma_wait3A_469 = arith.constant 0 : i32
    %dma_wait3A_470 = tpu.memref_slice %arg23[%dma_wait3A_469] : memref<1000000xf32, #tpu.memory_space<hbm>> -> memref<1000000xf32, #tpu.memory_space<hbm>>
    tpu.wait_indirect_dma semaphore(%arg38 : memref<!tpu.dma_semaphore, #tpu.memory_space<semaphore_mem>>) src(%dma_wait3A_470 : memref<1000000xf32, #tpu.memory_space<hbm>>) dst(%dma_wait3A_465 : memref<128xf32, #tpu.memory_space<vmem>>)
    %dma_wait3A_471 = arith.constant 20 : i32
    %dma_wait3A_472 = arith.constant 20 : i32
    %dma_wait3A_473 = arith.constant 0 : i32
    %dma_wait3A_474 = tpu.memref_slice %arg36[%dma_wait3A_472, %dma_wait3A_473] : memref<26x128xf32, #tpu.memory_space<vmem>> -> memref<1x128xf32, #tpu.memory_space<vmem>>
    %dma_wait3A_475 = tpu.memref_squeeze %dma_wait3A_474 : memref<1x128xf32, #tpu.memory_space<vmem>> -> memref<128xf32, #tpu.memory_space<vmem>>
    %dma_wait3A_476 = arith.constant 0 : i32
    %dma_wait3A_477 = tpu.memref_slice %arg35[%dma_wait3A_471, %dma_wait3A_476] : memref<26x128xi32, #tpu.memory_space<vmem>> -> memref<1x128xi32, #tpu.memory_space<vmem>>
    %dma_wait3A_478 = tpu.memref_squeeze %dma_wait3A_477 : memref<1x128xi32, #tpu.memory_space<vmem>> -> memref<128xi32, #tpu.memory_space<vmem>>
    %dma_wait3A_479 = arith.constant 0 : i32
    %dma_wait3A_480 = tpu.memref_slice %arg24[%dma_wait3A_479] : memref<1000000xf32, #tpu.memory_space<hbm>> -> memref<1000000xf32, #tpu.memory_space<hbm>>
    tpu.wait_indirect_dma semaphore(%arg38 : memref<!tpu.dma_semaphore, #tpu.memory_space<semaphore_mem>>) src(%dma_wait3A_480 : memref<1000000xf32, #tpu.memory_space<hbm>>) dst(%dma_wait3A_475 : memref<128xf32, #tpu.memory_space<vmem>>)
    %dma_wait3A_481 = arith.constant 21 : i32
    %dma_wait3A_482 = arith.constant 21 : i32
    %dma_wait3A_483 = arith.constant 0 : i32
    %dma_wait3A_484 = tpu.memref_slice %arg36[%dma_wait3A_482, %dma_wait3A_483] : memref<26x128xf32, #tpu.memory_space<vmem>> -> memref<1x128xf32, #tpu.memory_space<vmem>>
    %dma_wait3A_485 = tpu.memref_squeeze %dma_wait3A_484 : memref<1x128xf32, #tpu.memory_space<vmem>> -> memref<128xf32, #tpu.memory_space<vmem>>
    %dma_wait3A_486 = arith.constant 0 : i32
    %dma_wait3A_487 = tpu.memref_slice %arg35[%dma_wait3A_481, %dma_wait3A_486] : memref<26x128xi32, #tpu.memory_space<vmem>> -> memref<1x128xi32, #tpu.memory_space<vmem>>
    %dma_wait3A_488 = tpu.memref_squeeze %dma_wait3A_487 : memref<1x128xi32, #tpu.memory_space<vmem>> -> memref<128xi32, #tpu.memory_space<vmem>>
    %dma_wait3A_489 = arith.constant 0 : i32
    %dma_wait3A_490 = tpu.memref_slice %arg25[%dma_wait3A_489] : memref<1000000xf32, #tpu.memory_space<hbm>> -> memref<1000000xf32, #tpu.memory_space<hbm>>
    tpu.wait_indirect_dma semaphore(%arg38 : memref<!tpu.dma_semaphore, #tpu.memory_space<semaphore_mem>>) src(%dma_wait3A_490 : memref<1000000xf32, #tpu.memory_space<hbm>>) dst(%dma_wait3A_485 : memref<128xf32, #tpu.memory_space<vmem>>)
    %dma_wait3A_491 = arith.constant 22 : i32
    %dma_wait3A_492 = arith.constant 22 : i32
    %dma_wait3A_493 = arith.constant 0 : i32
    %dma_wait3A_494 = tpu.memref_slice %arg36[%dma_wait3A_492, %dma_wait3A_493] : memref<26x128xf32, #tpu.memory_space<vmem>> -> memref<1x128xf32, #tpu.memory_space<vmem>>
    %dma_wait3A_495 = tpu.memref_squeeze %dma_wait3A_494 : memref<1x128xf32, #tpu.memory_space<vmem>> -> memref<128xf32, #tpu.memory_space<vmem>>
    %dma_wait3A_496 = arith.constant 0 : i32
    %dma_wait3A_497 = tpu.memref_slice %arg35[%dma_wait3A_491, %dma_wait3A_496] : memref<26x128xi32, #tpu.memory_space<vmem>> -> memref<1x128xi32, #tpu.memory_space<vmem>>
    %dma_wait3A_498 = tpu.memref_squeeze %dma_wait3A_497 : memref<1x128xi32, #tpu.memory_space<vmem>> -> memref<128xi32, #tpu.memory_space<vmem>>
    %dma_wait3A_499 = arith.constant 0 : i32
    %dma_wait3A_500 = tpu.memref_slice %arg26[%dma_wait3A_499] : memref<1000000xf32, #tpu.memory_space<hbm>> -> memref<1000000xf32, #tpu.memory_space<hbm>>
    tpu.wait_indirect_dma semaphore(%arg38 : memref<!tpu.dma_semaphore, #tpu.memory_space<semaphore_mem>>) src(%dma_wait3A_500 : memref<1000000xf32, #tpu.memory_space<hbm>>) dst(%dma_wait3A_495 : memref<128xf32, #tpu.memory_space<vmem>>)
    %dma_wait3A_501 = arith.constant 23 : i32
    %dma_wait3A_502 = arith.constant 23 : i32
    %dma_wait3A_503 = arith.constant 0 : i32
    %dma_wait3A_504 = tpu.memref_slice %arg36[%dma_wait3A_502, %dma_wait3A_503] : memref<26x128xf32, #tpu.memory_space<vmem>> -> memref<1x128xf32, #tpu.memory_space<vmem>>
    %dma_wait3A_505 = tpu.memref_squeeze %dma_wait3A_504 : memref<1x128xf32, #tpu.memory_space<vmem>> -> memref<128xf32, #tpu.memory_space<vmem>>
    %dma_wait3A_506 = arith.constant 0 : i32
    %dma_wait3A_507 = tpu.memref_slice %arg35[%dma_wait3A_501, %dma_wait3A_506] : memref<26x128xi32, #tpu.memory_space<vmem>> -> memref<1x128xi32, #tpu.memory_space<vmem>>
    %dma_wait3A_508 = tpu.memref_squeeze %dma_wait3A_507 : memref<1x128xi32, #tpu.memory_space<vmem>> -> memref<128xi32, #tpu.memory_space<vmem>>
    %dma_wait3A_509 = arith.constant 0 : i32
    %dma_wait3A_510 = tpu.memref_slice %arg27[%dma_wait3A_509] : memref<1000000xf32, #tpu.memory_space<hbm>> -> memref<1000000xf32, #tpu.memory_space<hbm>>
    tpu.wait_indirect_dma semaphore(%arg38 : memref<!tpu.dma_semaphore, #tpu.memory_space<semaphore_mem>>) src(%dma_wait3A_510 : memref<1000000xf32, #tpu.memory_space<hbm>>) dst(%dma_wait3A_505 : memref<128xf32, #tpu.memory_space<vmem>>)
    %dma_wait3A_511 = arith.constant 24 : i32
    %dma_wait3A_512 = arith.constant 24 : i32
    %dma_wait3A_513 = arith.constant 0 : i32
    %dma_wait3A_514 = tpu.memref_slice %arg36[%dma_wait3A_512, %dma_wait3A_513] : memref<26x128xf32, #tpu.memory_space<vmem>> -> memref<1x128xf32, #tpu.memory_space<vmem>>
    %dma_wait3A_515 = tpu.memref_squeeze %dma_wait3A_514 : memref<1x128xf32, #tpu.memory_space<vmem>> -> memref<128xf32, #tpu.memory_space<vmem>>
    %dma_wait3A_516 = arith.constant 0 : i32
    %dma_wait3A_517 = tpu.memref_slice %arg35[%dma_wait3A_511, %dma_wait3A_516] : memref<26x128xi32, #tpu.memory_space<vmem>> -> memref<1x128xi32, #tpu.memory_space<vmem>>
    %dma_wait3A_518 = tpu.memref_squeeze %dma_wait3A_517 : memref<1x128xi32, #tpu.memory_space<vmem>> -> memref<128xi32, #tpu.memory_space<vmem>>
    %dma_wait3A_519 = arith.constant 0 : i32
    %dma_wait3A_520 = tpu.memref_slice %arg28[%dma_wait3A_519] : memref<1000000xf32, #tpu.memory_space<hbm>> -> memref<1000000xf32, #tpu.memory_space<hbm>>
    tpu.wait_indirect_dma semaphore(%arg38 : memref<!tpu.dma_semaphore, #tpu.memory_space<semaphore_mem>>) src(%dma_wait3A_520 : memref<1000000xf32, #tpu.memory_space<hbm>>) dst(%dma_wait3A_515 : memref<128xf32, #tpu.memory_space<vmem>>)
    %dma_wait3A_521 = arith.constant 25 : i32
    %dma_wait3A_522 = arith.constant 25 : i32
    %dma_wait3A_523 = arith.constant 0 : i32
    %dma_wait3A_524 = tpu.memref_slice %arg36[%dma_wait3A_522, %dma_wait3A_523] : memref<26x128xf32, #tpu.memory_space<vmem>> -> memref<1x128xf32, #tpu.memory_space<vmem>>
    %dma_wait3A_525 = tpu.memref_squeeze %dma_wait3A_524 : memref<1x128xf32, #tpu.memory_space<vmem>> -> memref<128xf32, #tpu.memory_space<vmem>>
    %dma_wait3A_526 = arith.constant 0 : i32
    %dma_wait3A_527 = tpu.memref_slice %arg35[%dma_wait3A_521, %dma_wait3A_526] : memref<26x128xi32, #tpu.memory_space<vmem>> -> memref<1x128xi32, #tpu.memory_space<vmem>>
    %dma_wait3A_528 = tpu.memref_squeeze %dma_wait3A_527 : memref<1x128xi32, #tpu.memory_space<vmem>> -> memref<128xi32, #tpu.memory_space<vmem>>
    %dma_wait3A_529 = arith.constant 0 : i32
    %dma_wait3A_530 = tpu.memref_slice %arg29[%dma_wait3A_529] : memref<1000000xf32, #tpu.memory_space<hbm>> -> memref<1000000xf32, #tpu.memory_space<hbm>>
    tpu.wait_indirect_dma semaphore(%arg38 : memref<!tpu.dma_semaphore, #tpu.memory_space<semaphore_mem>>) src(%dma_wait3A_530 : memref<1000000xf32, #tpu.memory_space<hbm>>) dst(%dma_wait3A_525 : memref<128xf32, #tpu.memory_space<vmem>>)
    %scan3A_531 = arith.constant 0 : i32
    %scan3A_532 = arith.constant 0 : i32
    %scan3A_533 = arith.constant 8 : i32
    %scan3A_534 = arith.addi %scan3A_532, %scan3A_533 : i32
    %scan3A_535 = arith.constant 1 : i32
    %scan3A_536 = scf.for %scan3A_538 = %scan3A_532 to %scan3A_534 step %scan3A_535 iter_args(%scan3A_539 = %scan3A_531) -> (i32)  : i32 {
      %mul3A_540 = arith.constant 16 : i32
      %mul3A_541 = arith.muli %scan3A_538, %mul3A_540 : i32
      %add3A_542 = vector.broadcast %mul3A_541 : i32 to vector<16xi32>
      %add3A_543 = arith.addi %add3A_542, %iota3A : vector<16xi32>
      %broadcast_in_dim3A = arith.constant 0.000000e+00 : f32
      %broadcast_in_dim3A_544 = vector.broadcast %broadcast_in_dim3A : f32 to vector<16xf32>
      %scan3A_545 = arith.constant 0 : i32
      %scan3A_546 = arith.constant 26 : i32
      %scan3A_547 = arith.addi %scan3A_545, %scan3A_546 : i32
      %scan3A_548 = arith.constant 1 : i32
      %scan3A_549 = scf.for %scan3A_561 = %scan3A_545 to %scan3A_547 step %scan3A_548 iter_args(%scan3A_562 = %broadcast_in_dim3A_544) -> (vector<16xf32>)  : i32 {
        %mul3A_563 = arith.constant 16 : i32
        %mul3A_564 = arith.muli %scan3A_538, %mul3A_563 : i32
        %get3A = arith.index_cast %scan3A_561 : i32 to index
        %get3A_565 = arith.index_cast %mul3A_564 : i32 to index
        %get3A_566 = tpu.vector_load %arg36[%get3A, %get3A_565] {strides = array<i32>} : memref<26x128xf32, #tpu.memory_space<vmem>>, vector<16xf32>,
        %add3A_567 = arith.addf %scan3A_562, %get3A_566 : vector<16xf32>
        scf.yield %add3A_567 : vector<16xf32>
      }
      %scan3A_550 = arith.constant 26 : i32
      %scan3A_551 = arith.constant 0 : i32
      %scan3A_552 = arith.constant 13 : i32
      %scan3A_553 = arith.addi %scan3A_551, %scan3A_552 : i32
      %scan3A_554 = arith.constant 1 : i32
      %scan3A_555 = scf.for %scan3A_561 = %scan3A_551 to %scan3A_553 step %scan3A_554 iter_args(%scan3A_562 = %scan3A_549) -> (vector<16xf32>)  : i32 {
        %broadcast_in_dim3A_563 = arith.constant 0 : i32
        %broadcast_in_dim3A_564 = vector.broadcast %broadcast_in_dim3A_563 : i32 to vector<16xi32>
        %add3A_565 = vector.broadcast %scan3A_561 : i32 to vector<16xi32>
        %add3A_566 = arith.addi %broadcast_in_dim3A_564, %add3A_565 : vector<16xi32>
        %mul3A_567 = arith.constant 13 : i32
        %mul3A_568 = vector.broadcast %mul3A_567 : i32 to vector<16xi32>
        %mul3A_569 = arith.muli %add3A_543, %mul3A_568 : vector<16xi32>
        %add3A_570 = vector.broadcast %scan3A_561 : i32 to vector<16xi32>
        %add3A_571 = arith.addi %mul3A_569, %add3A_570 : vector<16xi32>
        %gather3A = tpu.vector_load_idx %arg33[%add3A_571] : memref<1664xf32, #tpu.memory_space<vmem>>[vector<16xi32>], vector<16xf32>,
        %gather3A_572 = tpu.vector_load_idx %arg34[%add3A_566] : memref<16xf32, #tpu.memory_space<vmem>>[vector<16xi32>], vector<16xf32>,
        %mul3A_573 = arith.mulf %gather3A, %gather3A_572 : vector<16xf32>
        %add3A_574 = arith.addf %scan3A_562, %mul3A_573 : vector<16xf32>
        scf.yield %add3A_574 : vector<16xf32>
      }
      %scan3A_556 = arith.constant 13 : i32
      %mul3A_557 = arith.constant 16 : i32
      %mul3A_558 = arith.muli %scan3A_538, %mul3A_557 : i32
      %swap3A = arith.index_cast %mul3A_558 : i32 to index
      %swap3A_559 = tpu.vector_load %arg37[%swap3A] {strides = array<i32>} : memref<128xf32, #tpu.memory_space<vmem>>, vector<16xf32>,
      tpu.vector_store %arg37[%swap3A], %scan3A_555 {strides = array<i32>} : memref<128xf32, #tpu.memory_space<vmem>>, vector<16xf32>,
      %scan3A_560 = arith.constant 0 : i32
      scf.yield %scan3A_560 : i32
    }
    %scan3A_537 = arith.constant 8 : i32
    "tpu.region"() ({
      %run_scoped3A = tpu.sem_alloc : memref<!tpu.dma_semaphore, #tpu.memory_space<semaphore_mem>>
      %dma_start3A_538 = tpu.memref_slice %arg31[%mul3A_2] : memref<4096xf32, #tpu.memory_space<hbm>> -> memref<128xf32, #tpu.memory_space<hbm>>
      %dma_start3A_539 = tpu.memref_slice %arg31[%mul3A_2] : memref<4096xf32, #tpu.memory_space<hbm>> -> memref<128xf32, #tpu.memory_space<hbm>>
      tpu.enqueue_dma source(%arg37 : memref<128xf32, #tpu.memory_space<vmem>>) target(%dma_start3A_539 : memref<128xf32, #tpu.memory_space<hbm>>) target_semaphore(%run_scoped3A : memref<!tpu.dma_semaphore, #tpu.memory_space<semaphore_mem>>)
      %dma_wait3A_540 = tpu.memref_slice %arg31[%mul3A_2] : memref<4096xf32, #tpu.memory_space<hbm>> -> memref<128xf32, #tpu.memory_space<hbm>>
      %dma_wait3A_541 = tpu.memref_slice %arg31[%mul3A_2] : memref<4096xf32, #tpu.memory_space<hbm>> -> memref<128xf32, #tpu.memory_space<hbm>>
      tpu.wait_dma2 semaphore(%run_scoped3A : memref<!tpu.dma_semaphore, #tpu.memory_space<semaphore_mem>>) src(%arg37 : memref<128xf32, #tpu.memory_space<vmem>>) dst(%dma_wait3A_541 : memref<128xf32, #tpu.memory_space<hbm>>)
      tpu.yield
    }) : () -> ()
    return
  }
}

</mosaic_0001>

<sc_bundles>
// kernel: kernel.3.cloned.1.call-start
scs
__scs_entry_jumppad:
0x0: {  	(pc) =	sbr.rel $0x88, $3  }
0x1: {  	(tag) =	ssettag $0x0;
	lr =	simm.s32 $0x1  }
0x2: {  	[smem:$0x3F9D] =	sst lr;
	_ =	strace $0xD0000000  }
0x3: {  	_ = 	snop  }
0x4: {  	_ = 	snop  }
0x5: {  	_ = 	snop  }
0x6: {  	_ = 	snop  }
0x7: {  	_ = 	snop  }
__scs_overlays_trampoline_lowered:
0x8: {  	[smem:$0x3FAC] =	sst s0  }
0x9: {  	[smem:$0x3FAD] =	sst s1  }
0xa: {  	[smem:$0x3FAE] =	sst s2  }
0xb: {  	[smem:$0x3FAF] =	sst s3  }
0xc: {  	[smem:$0x3FB0] =	sst s4  }
0xd: {  	[smem:$0x3FB1] =	sst s5  }
0xe: {  	[smem:$0x3FB2] =	sst s6  }
0xf: {  	[smem:$0x3FB3] =	sst s7  }
0x10: {  	[smem:$0x3FB4] =	sst s8  }
0x11: {  	[smem:$0x3FB5] =	sst s9;
	s0 =	simm.s32 @!p0 $0x0  }
0x12: {  	s1 =	sld [smem:$0x3F9B];
	s0 =	simm.s32 @p0 $0x1  }
0x13: {  	[smem:$0x3FB6] =	sst s0;
	s0 =	simm.s32 @!p1 $0x0  }
0x14: {  	s2 =	sld [smem:$0x3F9A];
	s0 =	simm.s32 @p1 $0x1  }
0x15: {  	[smem:$0x3FB7] =	sst s0;
	s0 =	simm.s32 @!p2 $0x0  }
0x16: {  	s3 =	sld [smem:$0x3FDB];
	s0 =	simm.s32 @p2 $0x1  }
0x17: {  	s4 =	simm.s32 $0x1BF5;
	[smem:$0x3FB9] =	sst s0  }
0x18: {  	s0 =	sld [smem:$0x3F9C];
	_ =	swait.ge [sflag:s4], $0x0  }
0x19: {  	s7 =	sld [smem:$0x3F9D]  }
0x1a: {  	s8 =	sadd.s32 $0xFFFFE003, lr  }
0x1b: {  	s9 =	sadd.s32 $0xFFFFFEF7, lr;
	s5 =	simm.s32 $0xFFFFFFFF;
	p2 =	slt.u32 s8, $0xFFFFF086  }
0x1c: {  	p1 =	slt.u32 s9, $0xF7A;
	s5 =	simm.s32 @!p2 $0x0  }
0x1d: {  	s5 =	simm.s32 @p1 $0x1;
	p0 =	seq.s32 s7, s2  }
0x1e: {  	s7 =	smul.u32 @!p0 $0xF7A, s2;
	p2 =	seq.s32 @!p0 s5, $0x0  }
0x1f: {  	s9 =	smul.u32 $0xF7A, s1;
	s8 =	simm.s32 @!p0 $0x1BF5;
	p2 =	por !p2, p0  }
0x20: {  	[sflag:s8] =	ssyncset.s32 @!p0 $0xFFFFF086;
	s6 =	sadd.s32 @!p0 s3, s7;
	s7 =	simm.s32 @!p0 $0x108  }
0x21: {  	s3 =	sadd.s32 s3, s9;
	s6 =	sadd.s32 @!p0 $0x88, s6;
	s7 =	simm.s32 @p2 $0x1082  }
0x22: {  	[simem:s7], [sflag:s8] =	dma.local @!p0 [hbm:s6], $0xF7A  }
0x23: {  	s9 =	sor.u32 $0xD0000000, s2;
	s6 =	simm.s32 $0x108;
	_ =	swait.ge @!p0 [sflag:s8], $0x0  }
0x24: {  	s3 =	sadd.s32 $0x88, s3;
	s6 =	simm.s32 @!p1 $0x1082;
	[sflag:s4] =	ssyncset.s32 $0xFFFFF086  }
0x25: {  	[simem:s6], [sflag:s4] =	dma.local [hbm:s3], $0xF7A  }
0x26: {  	[smem:$0x3F9D] =	sst s1;
	(tag) =	ssettag s2;
	_ =	strace s9  }
0x27: {  	s1 =	sld [smem:$0x3FAD]  }
0x28: {  	s2 =	sld [smem:$0x3FAE]  }
0x29: {  	s4 =	sld [smem:$0x3FB0]  }
0x2a: {  	p0 =	seq.s32 s5, $0x0;
	s5 =	sld [smem:$0x3FB1]  }
0x2b: {  	s6 =	sld [smem:$0x3FB2]  }
0x2c: {  	s7 =	sld [smem:$0x3FB3]  }
0x2d: {  	s3 =	simm.s32 $0x108;
	s8 =	sld [smem:$0x3FB4]  }
0x2e: {  	s3 =	simm.s32 @!p0 $0x1082;
	s9 =	sld [smem:$0x3FB5]  }
0x2f: {  	lr =	sadd.s32 s0, s3;
	s0 =	sld [smem:$0x3FAC]  }
0x30: {  	s3 =	sld [smem:$0x3FAF]  }
0x31: {  	[smem:$0x3FB8] =	sst s10  }
0x32: {  	s10 =	sld [smem:$0x3FB6];
	_ =	sdelay $0x3  }
0x33: {  	p0 =	seq.s32 s10, $0x1;
	s10 =	sld [smem:$0x3FB8];
	_ =	sdelay $0x3  }
0x34: {  	[smem:$0x3FB8] =	sst s10  }
0x35: {  	s10 =	sld [smem:$0x3FB7];
	_ =	sdelay $0x3  }
0x36: {  	p1 =	seq.s32 s10, $0x1;
	s10 =	sld [smem:$0x3FB8];
	_ =	sdelay $0x3  }
0x37: {  	[smem:$0x3FB8] =	sst s10  }
0x38: {  	s10 =	sld [smem:$0x3FB9]  }
0x39: {  	_ = 	snop;
	(pc) =	sbr.ind lr, $3  }
0x3a: {  	_ = 	snop  }
0x3b: {  	_ = 	snop  }
0x3c: {  	p2 =	seq.s32 s10, $0x1;
	s10 =	sld [smem:$0x3FB8]  }
0x3d: {  	_ =	shalt  }
0x3e: {  	_ =	shalt  }
0x3f: {  	_ =	shalt  }
0x40: {  	_ =	shalt  }
0x41: {  	_ =	shalt  }
0x42: {  	_ =	shalt  }
0x43: {  	_ =	shalt  }
0x44: {  	_ =	shalt  }
0x45: {  	_ =	shalt  }
0x46: {  	_ =	shalt  }
0x47: {  	_ =	shalt  }
0x48: {  	_ =	shalt  }
0x49: {  	_ =	shalt  }
0x4a: {  	_ =	shalt  }
0x4b: {  	_ =	shalt  }
0x4c: {  	_ =	shalt  }
0x4d: {  	_ =	shalt  }
0x4e: {  	_ =	shalt  }
0x4f: {  	_ =	shalt  }
0x50: {  	_ =	shalt  }
0x51: {  	_ =	shalt  }
0x52: {  	_ =	shalt  }
0x53: {  	_ =	shalt  }
0x54: {  	_ =	shalt  }
0x55: {  	_ =	shalt  }
0x56: {  	_ =	shalt  }
0x57: {  	_ =	shalt  }
0x58: {  	_ =	shalt  }
0x59: {  	_ =	shalt  }
0x5a: {  	_ =	shalt  }
0x5b: {  	_ =	shalt  }
0x5c: {  	_ =	shalt  }
0x5d: {  	_ =	shalt  }
0x5e: {  	_ =	shalt  }
0x5f: {  	_ =	shalt  }
0x60: {  	_ =	shalt  }
0x61: {  	_ =	shalt  }
0x62: {  	_ =	shalt  }
0x63: {  	_ =	shalt  }
0x64: {  	_ =	shalt  }
0x65: {  	_ =	shalt  }
0x66: {  	_ =	shalt  }
0x67: {  	_ =	shalt  }
0x68: {  	_ =	shalt  }
0x69: {  	_ =	shalt  }
0x6a: {  	_ =	shalt  }
0x6b: {  	_ =	shalt  }
0x6c: {  	_ =	shalt  }
0x6d: {  	_ =	shalt  }
0x6e: {  	_ =	shalt  }
0x6f: {  	_ =	shalt  }
0x70: {  	_ =	shalt  }
0x71: {  	_ =	shalt  }
0x72: {  	_ =	shalt  }
0x73: {  	_ =	shalt  }
0x74: {  	_ =	shalt  }
0x75: {  	_ =	shalt  }
0x76: {  	_ =	shalt  }
0x77: {  	_ =	shalt  }
0x78: {  	_ =	shalt  }
0x79: {  	_ =	shalt  }
0x7a: {  	_ =	shalt  }
0x7b: {  	_ =	shalt  }
0x7c: {  	_ =	shalt  }
0x7d: {  	_ =	shalt  }
0x7e: {  	_ =	shalt  }
0x7f: {  	_ =	shalt  }
0x80: {  	_ =	shalt  }
0x81: {  	_ =	shalt  }
0x82: {  	_ =	shalt  }
0x83: {  	_ =	shalt  }
0x84: {  	_ =	shalt  }
0x85: {  	_ =	shalt  }
0x86: {  	_ =	shalt  }
0x87: {  	_ =	shalt  }
.Lfunc_end0:
.L_simem_size_0:
called_computation_lowered:
.L_overlay_start_0:
0x88: {  	s2 =	sld [smem:$0x3FD9]  }
0x89: {  	s3 =	sld [smem:$0x3FFE];
	_ =	sdelay $0x1  }
0x8a: {  	s1 =	srdreg.scid  }
0x8b: {  	s0 =	sand.u32 $0x1, s1  }
0x8c: {  	s17 =	sshll.u32 s0, $0xA;
	s2 =	sadd.s32 s3, s2  }
0x8d: {  	s2 =	sadd.s32 s2, s17  }
0x8e: {  	[smem:$0x3FC4] =	sst s2  }
0x8f: {  	_ = 	snop  }
0x90: {  	s2 =	sld [smem:$0x3FD0];
	(tm) =	ssettm $0x1  }
0x91: {  	s18 =	sld [smem:$0x3FFB];
	_ =	sdelay $0x3  }
0x92: {  	_ =	strace s18  }
0x93: {  	s3 =	sld [smem:$0x3FFC];
	_ =	sdelay $0x3  }
0x94: {  	_ =	strace s3  }
0x95: {  	s3 =	sld [smem:$0x3FFD];
	_ =	sdelay $0x3  }
0x96: {  	_ =	strace s3  }
0x97: {  	_ =	strace $0x8FFFFFFF  }
0x98: {  	s19 =	sld [smem:$0x3FDB];
	_ =	sdelay $0x1  }
0x99: {  	s4 =	simm.s32 $_scs_section_size  }
0x9a: {  	s5 =	simm.s32 $_size__tile_overlayer_lowered;
	s6 =	simm.s32 $_tile_overlayer_lowered  }
0x9b: {  	s22 =	simm.s32 $0x1BFF;
	s21 =	sshll.u32 s6, $0x1;
	s3 =	sadd.s32 s4, s19  }
0x9c: {  	s7 =	simm.s32 $0x0;
	s20 =	sshll.u32 s5, $0x1;
	s5 =	sadd.s32 s21, s3  }
0x9d: {  	[timem:s7], [sflag:s22] =	dma.local [hbm:s5], s20  }
0x9e: {  	_ =	swait.ge [sflag:s22], s20  }
0x9f: {  	s4 =	ssub.s32 $0x0, s20;
	[sflag:s22] =	ssyncset.done $0x0  }
0xa0: {  	[sflag:s22] =	ssyncadd.s32 s4;
	_ =	sdelay $0x1  }
0xa1: {  	s23 =	simm.s32 $0x1B8B  }
0xa2: {  	_ =	swait.ge [sflag:s23], $0x1  }
0xa3: {  	[sflag:s23] =	ssyncset.done $0x0  }
0xa4: {  	s25 =	simm.s32 $0x1B8E;
	s24 =	sld [smem:$0x3FFE];
	[sflag:s23] =	ssyncadd.s32 $0xFFFFFFFF  }
0xa5: {  	s26 =	simm.s32 $execute0_lowered;
	[smem:$0x3FD2] =	sst s25  }
0xa6: {  	s5 =	sshll.u32 s26, $0x1;
	_ =	strace $0x80000046;
	[dreg:$0x1] =	wrdreg $0xFFFFFFFF  }
0xa7: {  	s28 =	simm.s32 $_size_execute0_lowered;
	s3 =	sadd.s32 s3, s5;
	[dreg:$0x0] =	wrdreg $0x0  }
0xa8: {  	s5 =	sshll.u32 s28, $0x1;
	[dreg:$0x2] =	wrdreg s3  }
0xa9: {  	[dreg:$0x3] =	wrdreg s5  }
0xaa: {  	[dreg:$0x4] =	wrdreg $0xC0  }
0xab: {  	_ =	task [dreg:s7], $0x5FFFF  }
0xac: {  	[dreg:$0x1] =	wrdreg $0xFFFFFFFF  }
0xad: {  	[dreg:$0x0] =	wrdreg $0x60  }
0xae: {  	[dreg:$0x2] =	wrdreg s24  }
0xaf: {  	[dreg:$0x3] =	wrdreg s2  }
0xb0: {  	[dreg:$0x4] =	wrdreg $0x9  }
0xb1: {  	_ =	task.clear_ibuf [dreg:s7], $0x5FFFF;
	_ =	strace $0x90000046  }
0xb2: {  	s29 =	simm.s32 $0x9;
	_ =	strace $0x80000048  }
0xb3: {  	_ =	swait.ge [sflag:s29], $0x1  }
0xb4: {  	[sflag:s29] =	ssyncadd.s32 $0xFFFFFFFF  }
0xb5: {  	_ =	strace $0x90000048  }
0xb6: {  	_ =	sfence  }
0xb7: {  	s30 =	sld [smem:$0x0];
	_ =	sdelay $0x2  }
0xb8: {  	s31 =	sshll.u32 s1, $0xD;
	s1 =	sshrl.u32 s1, $0x2  }
0xb9: {  	s3 =	sand.u32 $0x4000, s31;
	s1 =	sadd.s32 s1, s30  }
0xba: {  	s0 =	sor.u32 s3, s0;
	s1 =	sshll.u32 s1, $0x11  }
0xbb: {  	s0 =	sor.u32 s1, s0  }
0xbc: {  	s0 =	sadd.s32 $0x8F2B, s0  }
0xbd: {  	[sflag:s0] =	ssyncadd.remote.s32 $0x1  }
0xbe: {  	_ =	sfence.sel $0xFFFF  }
0xbf: {  	[dreg:$0x0] =	wrdreg $0xFFFFFFFF;
	(pc) =	sbr.abs _section_cstart, $3  }
0xc0: {  	[dreg:$0x1] =	wrdreg $0xFFFFFFFF  }
0xc1: {  	_ =	task.clear_ibuf [dreg:s7], $0x2FFFF;
	_ =	strace $0x9FFFFFFF  }
0xc2: {  	(tm) =	ssettm $0x7FFFFFFF  }
0xc3: {  	_ =	shalt  }
tec
execute0_lowered:
.L_overlay_start_1:
0x0: {  	(tag) =	ssettag $0x1  }
0x1: {  	s7 =	rddreg [dreg:$0x0];
	s0 =	srdreg.scid  }
0x2: {  	s2 =	stileid.u32;
	s1 =	rddreg [dreg:$0x1]  }
0x3: {  	s3 =	simm.s32 $0x0;
	s8 =	simm.s32 $0x1;
	s9 =	simm.s32 $0x0  }
0x4: {  	s0 =	sand.u32 $0x1, s0;
	[smem:$0x7FF] =	sst s3;
	s6 =	sadd.s32 $0x1EA00, s7  }
0x5: {  	s17 =	sadd.s32 $0x18E200, s7;
	_ =	strace $0x80000047;
	[dreg:$0x3] =	wrdreg s6  }
0x6: {  	s2 =	sshll.u32 s2, $0x1;
	s18 =	sadd.s32 $0x16F800, s7;
	[dreg:$0x4] =	wrdreg s17  }
0x7: {  	s19 =	sadd.s32 $0x150E00, s7;
	s20 =	sadd.s32 $0x132400, s7;
	[dreg:$0x5] =	wrdreg s18  }
0x8: {  	s21 =	sadd.s32 $0x113A00, s7;
	s22 =	sadd.s32 $0x245E00, s7;
	[dreg:$0x6] =	wrdreg s19  }
0x9: {  	s23 =	sadd.s32 $0x227400, s7;
	s24 =	sadd.s32 $0x208A00, s7;
	[dreg:$0x7] =	wrdreg s20  }
0xa: {  	s25 =	sadd.s32 $0xF5000, s7;
	s14 =	sadd.s32 $0x1EA000, s7;
	[dreg:$0x8] =	wrdreg s21  }
0xb: {  	s15 =	sadd.s32 $0x1CB600, s7;
	s16 =	sadd.s32 $0x1ACC00, s7;
	[dreg:$0x9] =	wrdreg s22  }
0xc: {  	s28 =	sadd.s32 $0xD6600, s7;
	s29 =	sadd.s32 $0xB7C00, s7;
	[dreg:$0xa] =	wrdreg s23  }
0xd: {  	s30 =	sadd.s32 $0x99200, s7;
	s31 =	sadd.s32 $0x7A800, s7;
	[dreg:$0xb] =	wrdreg s24  }
0xe: {  	s2 =	sor.u32 s0, s2;
	[dreg:$0xc] =	wrdreg s25;
	s17 =	sadd.s32 $0x2FDA00, s7  }
0xf: {  	s0 =	ssub.s32 $0x2, s0;
	s19 =	sadd.s32 $0x2C0600, s7;
	s20 =	sadd.s32 $0x2A1C00, s7  }
0x10: {  	s18 =	sadd.s32 $0x2DF000, s7;
	s22 =	sadd.s32 $0x283200, s7;
	s4 =	smul.u32 $0x1A0, s2  }
0x11: {  	s6 =	simm.s32 $0x1380;
	s5 =	smul.u32 $0xD0, s2;
	s26 =	sshrl.u32 s0, $0x1  }
0x12: {  	s2 =	sshll.u32 s2, $0x4;
	s0 =	ssub.s32 s0, s26;
	s26 =	sadd.s32 $0x264800, s7  }
0x13: {  	s21 =	sadd.s32 s1, s2;
	s1 =	sadd.s32 $0x5BE00, s7;
	s2 =	sadd.s32 $0x321200, s7  }
0x14: {  	s4 =	sadd.s32 s4, s7;
	s5 =	sadd.s32 s5, s7;
	s25 =	smax.u32 s0, $0x1  }
0x15: {  	v1 =	vlaneseq.u32;
	s0 =	sadd.s32 $0x3D400, s7;
	s7 =	simm.s32 $0x80;
	s23 =	sadd.s32 $0x31C400, s4  }
0x16: {  	v0 =	vmul.u32 $0x1A, v1;
	v1 =	vmul.u32 $0xD, v1;
	s24 =	sadd.s32 $0x31F800, s5;
	s4 =	simm.s32 $0x2;
	s5 =	simm.s32 $0xD00  }
.LBB2_1:
0x17: {  	[tilespmem:s3], [sflag:$0x2] =	stream.linear.gather [hbm4b:s23+s3], $0xD00, $0x38;
	[tilespmem:$0x3480] =	vst v63  }
0x18: {  	_ =	swait.ge [sflag:s4], $0xD00  }
0x19: {  	[sflag:s4] =	ssyncset.done $0x0  }
0x1a: {  	[sflag:s4] =	ssyncadd.s32 $0xFFFFF300  }
0x1b: {  	[tilespmem:s5], [sflag:$0x2] =	stream.linear.gather [hbm4b:s24+s3], $0x680, $0x38;
	[tilespmem:$0x3480] =	vst v63  }
0x1c: {  	_ =	swait.ge [sflag:s4], $0x680  }
0x1d: {  	[sflag:s4] =	ssyncset.done $0x0  }
0x1e: {  	[sflag:s4] =	ssyncadd.s32 $0xFFFFF980  }
0x1f: {  	[tilespmem:s6], [sflag:$0x2] =	stream.linear.gather [hbm4b:s2+s3], $0x80, $0x38;
	[tilespmem:$0x3480] =	vst v63  }
0x20: {  	_ =	swait.ge [sflag:s4], $0x80  }
0x21: {  	[sflag:s4] =	ssyncset.done $0x0  }
0x22: {  	s10 =	simm.s32 $0x1400;
	s11 =	simm.s32 $0x0;
	[sflag:s4] =	ssyncadd.s32 $0xFFFFFF80  }
.LBB2_2:
0x23: {  	s12 =	simm.s32 $0x0  }
0x24: {  	v2 =	vmov s12  }
0x25: {  	v3 =	vmul.u32 $0x1A, v2  }
0x26: {  	v2 =	vmov s11  }
0x27: {  	v3 =	vadd.s32 v2, v3  }
0x28: {  	v3 =	vbroadcast v3, $0x0  }
0x29: {  	s13 =	simm.s32 $0x10  }
0x2a: {  	v4 =	vmov s13;
	v3 =	vadd.s32 v0, v3  }
0x2b: {  	v4 =	vmul.u32 $0x1A, v4;
	_ =	sdelay $0x1  }
0x2c: {  	v4 =	vadd.s32 v2, v4  }
0x2d: {  	v4 =	vbroadcast v4, $0x0  }
0x2e: {  	s13 =	simm.s32 $0x20;
	v3 =	vld.idx.msk [tilespmem:v3+s3+$0x0], $0xffff  }
0x2f: {  	v5 =	vmov s13;
	v4 =	vadd.s32 v0, v4  }
0x30: {  	v5 =	vmul.u32 $0x1A, v5;
	_ =	sdelay $0x1  }
0x31: {  	v5 =	vadd.s32 v2, v5  }
0x32: {  	v5 =	vbroadcast v5, $0x0;
	[tilespmem:s10+$0x0] =	vst v3  }
0x33: {  	v4 =	vld.idx.msk [tilespmem:v4+s3+$0x0], $0xffff  }
0x34: {  	s13 =	simm.s32 $0x30;
	v3 =	vadd.s32 v0, v5  }
0x35: {  	s12 =	smov.u32 s10;
	v5 =	vmov s13;
	s13 =	simm.s32 $0x40  }
.LBB2_3:
0x36: {  	p0 =	sne.s32 s13, $0x70;
	v5 =	vmul.u32 $0x1A, v5  }
0x37: {  	s12 =	sadd.s32 $0x10, s12  }
.Ltmp0:
0x38: {  	v5 =	vadd.s32 v2, v5;
	[tilespmem:s12+$0x0] =	vst v4;
	(pc) =	sbr.rel @p0 .LBB2_3-.Ltmp0, $3  }
0x39: {  	v5 =	vbroadcast v5, $0x0;
	v4 =	vld.idx.msk [tilespmem:v3+s3+$0x0], $0xffff;
	_ =	sdelay $0x1  }
0x3a: {  	v3 =	vadd.s32 v0, v5  }
0x3b: {  	v5 =	vmov s13;
	s13 =	sadd.s32 $0x10, s13  }
0x3c: {  	v5 =	vmul.u32 $0x1A, v5;
	_ =	sdelay $0x1  }
0x3d: {  	s12 =	sadd.s32 $0x10, s12;
	v2 =	vadd.s32 v2, v5  }
0x3e: {  	[tilespmem:s12+$0x0] =	vst v4;
	v2 =	vbroadcast v2, $0x0  }
0x3f: {  	v3 =	vld.idx.msk [tilespmem:v3+s3+$0x0], $0xffff  }
0x40: {  	v2 =	vadd.s32 v0, v2;
	_ =	sdelay $0x2  }
0x41: {  	s12 =	sadd.s32 $0x10, s12  }
0x42: {  	s11 =	sadd.s32 $0x1, s11;
	[tilespmem:s12+$0x0] =	vst v3  }
0x43: {  	p0 =	sne.s32 s11, $0x1A;
	v2 =	vld.idx.msk [tilespmem:v2+s3+$0x0], $0xffff  }
.Ltmp1:
0x44: {  	_ = 	snop;
	(pc) =	sbr.rel @p0 .LBB2_2-.Ltmp1, $3  }
0x45: {  	_ =	sdelay $0x1  }
0x46: {  	s12 =	sadd.s32 $0x10, s12  }
0x47: {  	s10 =	sadd.s32 $0x80, s10;
	[tilespmem:s12+$0x0] =	vst v2  }
0x48: {  	s10 =	rddreg [dreg:$0x3];
	s11 =	simm.s32 $0x1400;
	s12 =	simm.s32 $0x2400  }
0x49: {  	[tilespmem:s12], [sflag:$0x1] =	stream.indirect.gather [hbm4b:s10+s7], $0x1, s11, s7, $0xb8;
	[tilespmem:$0x3480] =	vst v63  }
0x4a: {  	s13 =	simm.s32 $0x2480;
	s11 =	rddreg [dreg:$0x0];
	s12 =	simm.s32 $0x1480  }
0x4b: {  	[tilespmem:s13], [sflag:$0x1] =	stream.indirect.gather [hbm4b:s11+s7], $0x1, s12, s7, $0xb8;
	[tilespmem:$0x3480] =	vst v63  }
0x4c: {  	s11 =	rddreg [dreg:$0x4];
	s12 =	simm.s32 $0x1500;
	s13 =	simm.s32 $0x2500  }
0x4d: {  	[tilespmem:s13], [sflag:$0x1] =	stream.indirect.gather [hbm4b:s11+s7], $0x1, s12, s7, $0xb8;
	[tilespmem:$0x3480] =	vst v63  }
0x4e: {  	s11 =	rddreg [dreg:$0x5];
	s12 =	simm.s32 $0x1580;
	s13 =	simm.s32 $0x2580  }
0x4f: {  	[tilespmem:s13], [sflag:$0x1] =	stream.indirect.gather [hbm4b:s11+s7], $0x1, s12, s7, $0xb8;
	[tilespmem:$0x3480] =	vst v63  }
0x50: {  	s11 =	rddreg [dreg:$0x6];
	s12 =	simm.s32 $0x1600;
	s13 =	simm.s32 $0x2600  }
0x51: {  	[tilespmem:s13], [sflag:$0x1] =	stream.indirect.gather [hbm4b:s11+s7], $0x1, s12, s7, $0xb8;
	[tilespmem:$0x3480] =	vst v63  }
0x52: {  	s11 =	rddreg [dreg:$0x7];
	s12 =	simm.s32 $0x1680;
	s13 =	simm.s32 $0x2680  }
0x53: {  	[tilespmem:s13], [sflag:$0x1] =	stream.indirect.gather [hbm4b:s11+s7], $0x1, s12, s7, $0xb8;
	[tilespmem:$0x3480] =	vst v63  }
0x54: {  	s11 =	rddreg [dreg:$0x8];
	s12 =	simm.s32 $0x1700;
	s13 =	simm.s32 $0x2700  }
0x55: {  	[tilespmem:s13], [sflag:$0x1] =	stream.indirect.gather [hbm4b:s11+s7], $0x1, s12, s7, $0xb8;
	[tilespmem:$0x3480] =	vst v63  }
0x56: {  	s11 =	rddreg [dreg:$0xc];
	s12 =	simm.s32 $0x1780;
	s13 =	simm.s32 $0x2780  }
0x57: {  	[tilespmem:s13], [sflag:$0x1] =	stream.indirect.gather [hbm4b:s11+s7], $0x1, s12, s7, $0xb8;
	[tilespmem:$0x3480] =	vst v63  }
0x58: {  	s11 =	rddreg [dreg:$0x9];
	s12 =	simm.s32 $0x1800;
	s13 =	simm.s32 $0x2800  }
0x59: {  	[tilespmem:s13], [sflag:$0x1] =	stream.indirect.gather [hbm4b:s11+s7], $0x1, s12, s7, $0xb8;
	[tilespmem:$0x3480] =	vst v63  }
0x5a: {  	s11 =	rddreg [dreg:$0xa];
	s12 =	simm.s32 $0x1880;
	s13 =	simm.s32 $0x2880  }
0x5b: {  	[tilespmem:s13], [sflag:$0x1] =	stream.indirect.gather [hbm4b:s11+s7], $0x1, s12, s7, $0xb8;
	[tilespmem:$0x3480] =	vst v63  }
0x5c: {  	s11 =	rddreg [dreg:$0xb];
	s12 =	simm.s32 $0x1900;
	s13 =	simm.s32 $0x2900  }
0x5d: {  	[tilespmem:s13], [sflag:$0x1] =	stream.indirect.gather [hbm4b:s11+s7], $0x1, s12, s7, $0xb8;
	[tilespmem:$0x3480] =	vst v63  }
0x5e: {  	s12 =	simm.s32 $0x1980;
	s13 =	simm.s32 $0x2980  }
0x5f: {  	[tilespmem:s13], [sflag:$0x1] =	stream.indirect.gather [hbm4b:s14+s7], $0x1, s12, s7, $0xb8;
	[tilespmem:$0x3480] =	vst v63  }
0x60: {  	s12 =	simm.s32 $0x1A00;
	s13 =	simm.s32 $0x2A00  }
0x61: {  	[tilespmem:s13], [sflag:$0x1] =	stream.indirect.gather [hbm4b:s15+s7], $0x1, s12, s7, $0xb8;
	[tilespmem:$0x3480] =	vst v63  }
0x62: {  	s12 =	simm.s32 $0x1A80;
	s13 =	simm.s32 $0x2A80  }
0x63: {  	[tilespmem:s13], [sflag:$0x1] =	stream.indirect.gather [hbm4b:s16+s7], $0x1, s12, s7, $0xb8;
	[tilespmem:$0x3480] =	vst v63  }
0x64: {  	s12 =	simm.s32 $0x1B00;
	s13 =	simm.s32 $0x2B00  }
0x65: {  	[tilespmem:s13], [sflag:$0x1] =	stream.indirect.gather [hbm4b:s17+s7], $0x1, s12, s7, $0xb8;
	[tilespmem:$0x3480] =	vst v63  }
0x66: {  	s12 =	simm.s32 $0x1B80;
	s13 =	simm.s32 $0x2B80  }
0x67: {  	[tilespmem:s13], [sflag:$0x1] =	stream.indirect.gather [hbm4b:s18+s7], $0x1, s12, s7, $0xb8;
	[tilespmem:$0x3480] =	vst v63  }
0x68: {  	s12 =	simm.s32 $0x1C00;
	s13 =	simm.s32 $0x2C00  }
0x69: {  	[tilespmem:s13], [sflag:$0x1] =	stream.indirect.gather [hbm4b:s19+s7], $0x1, s12, s7, $0xb8;
	[tilespmem:$0x3480] =	vst v63  }
0x6a: {  	s12 =	simm.s32 $0x1C80;
	s13 =	simm.s32 $0x2C80  }
0x6b: {  	[tilespmem:s13], [sflag:$0x1] =	stream.indirect.gather [hbm4b:s20+s7], $0x1, s12, s7, $0xb8;
	[tilespmem:$0x3480] =	vst v63  }
0x6c: {  	s12 =	simm.s32 $0x1D00;
	s13 =	simm.s32 $0x2D00  }
0x6d: {  	[tilespmem:s13], [sflag:$0x1] =	stream.indirect.gather [hbm4b:s22+s7], $0x1, s12, s7, $0xb8;
	[tilespmem:$0x3480] =	vst v63  }
0x6e: {  	s12 =	simm.s32 $0x1D80;
	s13 =	simm.s32 $0x2D80  }
0x6f: {  	[tilespmem:s13], [sflag:$0x1] =	stream.indirect.gather [hbm4b:s26+s7], $0x1, s12, s7, $0xb8;
	[tilespmem:$0x3480] =	vst v63  }
0x70: {  	s12 =	simm.s32 $0x1E00;
	s13 =	simm.s32 $0x2E00  }
0x71: {  	[tilespmem:s13], [sflag:$0x1] =	stream.indirect.gather [hbm4b:s28+s7], $0x1, s12, s7, $0xb8;
	[tilespmem:$0x3480] =	vst v63  }
0x72: {  	s12 =	simm.s32 $0x1E80;
	s13 =	simm.s32 $0x2E80  }
0x73: {  	[tilespmem:s13], [sflag:$0x1] =	stream.indirect.gather [hbm4b:s29+s7], $0x1, s12, s7, $0xb8;
	[tilespmem:$0x3480] =	vst v63  }
0x74: {  	s12 =	simm.s32 $0x1F00;
	s13 =	simm.s32 $0x2F00  }
0x75: {  	[tilespmem:s13], [sflag:$0x1] =	stream.indirect.gather [hbm4b:s30+s7], $0x1, s12, s7, $0xb8;
	[tilespmem:$0x3480] =	vst v63  }
0x76: {  	s12 =	simm.s32 $0x1F80;
	s13 =	simm.s32 $0x2F80  }
0x77: {  	[tilespmem:s13], [sflag:$0x1] =	stream.indirect.gather [hbm4b:s31+s7], $0x1, s12, s7, $0xb8;
	[tilespmem:$0x3480] =	vst v63  }
0x78: {  	s12 =	simm.s32 $0x2000;
	s13 =	simm.s32 $0x3000  }
0x79: {  	[tilespmem:s13], [sflag:$0x1] =	stream.indirect.gather [hbm4b:s1+s7], $0x1, s12, s7, $0xb8;
	[tilespmem:$0x3480] =	vst v63  }
0x7a: {  	s12 =	simm.s32 $0x2080;
	s13 =	simm.s32 $0x3080  }
0x7b: {  	[tilespmem:s13], [sflag:$0x1] =	stream.indirect.gather [hbm4b:s0+s7], $0x1, s12, s7, $0xb8;
	[tilespmem:$0x3480] =	vst v63  }
0x7c: {  	_ =	swait.ge [sflag:s8], $0x80  }
0x7d: {  	[sflag:s8] =	ssyncset.done $0x0  }
0x7e: {  	[sflag:s8] =	ssyncadd.s32 $0xFFFFFF80  }
0x7f: {  	_ =	swait.ge [sflag:s8], $0x80  }
0x80: {  	[sflag:s8] =	ssyncset.done $0x0  }
0x81: {  	[sflag:s8] =	ssyncadd.s32 $0xFFFFFF80  }
0x82: {  	_ =	swait.ge [sflag:s8], $0x80  }
0x83: {  	[sflag:s8] =	ssyncset.done $0x0  }
0x84: {  	[sflag:s8] =	ssyncadd.s32 $0xFFFFFF80  }
0x85: {  	_ =	swait.ge [sflag:s8], $0x80  }
0x86: {  	[sflag:s8] =	ssyncset.done $0x0  }
0x87: {  	[sflag:s8] =	ssyncadd.s32 $0xFFFFFF80  }
0x88: {  	_ =	swait.ge [sflag:s8], $0x80  }
0x89: {  	[sflag:s8] =	ssyncset.done $0x0  }
0x8a: {  	[sflag:s8] =	ssyncadd.s32 $0xFFFFFF80  }
0x8b: {  	_ =	swait.ge [sflag:s8], $0x80  }
0x8c: {  	[sflag:s8] =	ssyncset.done $0x0  }
0x8d: {  	[sflag:s8] =	ssyncadd.s32 $0xFFFFFF80  }
0x8e: {  	_ =	swait.ge [sflag:s8], $0x80  }
0x8f: {  	[sflag:s8] =	ssyncset.done $0x0  }
0x90: {  	[sflag:s8] =	ssyncadd.s32 $0xFFFFFF80  }
0x91: {  	_ =	swait.ge [sflag:s8], $0x80  }
0x92: {  	[sflag:s8] =	ssyncset.done $0x0  }
0x93: {  	[sflag:s8] =	ssyncadd.s32 $0xFFFFFF80  }
0x94: {  	_ =	swait.ge [sflag:s8], $0x80  }
0x95: {  	[sflag:s8] =	ssyncset.done $0x0  }
0x96: {  	[sflag:s8] =	ssyncadd.s32 $0xFFFFFF80  }
0x97: {  	_ =	swait.ge [sflag:s8], $0x80  }
0x98: {  	[sflag:s8] =	ssyncset.done $0x0  }
0x99: {  	[sflag:s8] =	ssyncadd.s32 $0xFFFFFF80  }
0x9a: {  	_ =	swait.ge [sflag:s8], $0x80  }
0x9b: {  	[sflag:s8] =	ssyncset.done $0x0  }
0x9c: {  	[sflag:s8] =	ssyncadd.s32 $0xFFFFFF80  }
0x9d: {  	_ =	swait.ge [sflag:s8], $0x80  }
0x9e: {  	[sflag:s8] =	ssyncset.done $0x0  }
0x9f: {  	[sflag:s8] =	ssyncadd.s32 $0xFFFFFF80  }
0xa0: {  	_ =	swait.ge [sflag:s8], $0x80  }
0xa1: {  	[sflag:s8] =	ssyncset.done $0x0  }
0xa2: {  	[sflag:s8] =	ssyncadd.s32 $0xFFFFFF80  }
0xa3: {  	_ =	swait.ge [sflag:s8], $0x80  }
0xa4: {  	[sflag:s8] =	ssyncset.done $0x0  }
0xa5: {  	[sflag:s8] =	ssyncadd.s32 $0xFFFFFF80  }
0xa6: {  	_ =	swait.ge [sflag:s8], $0x80  }
0xa7: {  	[sflag:s8] =	ssyncset.done $0x0  }
0xa8: {  	[sflag:s8] =	ssyncadd.s32 $0xFFFFFF80  }
0xa9: {  	_ =	swait.ge [sflag:s8], $0x80  }
0xaa: {  	[sflag:s8] =	ssyncset.done $0x0  }
0xab: {  	[sflag:s8] =	ssyncadd.s32 $0xFFFFFF80  }
0xac: {  	_ =	swait.ge [sflag:s8], $0x80  }
0xad: {  	[sflag:s8] =	ssyncset.done $0x0  }
0xae: {  	[sflag:s8] =	ssyncadd.s32 $0xFFFFFF80  }
0xaf: {  	_ =	swait.ge [sflag:s8], $0x80  }
0xb0: {  	[sflag:s8] =	ssyncset.done $0x0  }
0xb1: {  	[sflag:s8] =	ssyncadd.s32 $0xFFFFFF80  }
0xb2: {  	_ =	swait.ge [sflag:s8], $0x80  }
0xb3: {  	[sflag:s8] =	ssyncset.done $0x0  }
0xb4: {  	[sflag:s8] =	ssyncadd.s32 $0xFFFFFF80  }
0xb5: {  	_ =	swait.ge [sflag:s8], $0x80  }
0xb6: {  	[sflag:s8] =	ssyncset.done $0x0  }
0xb7: {  	[sflag:s8] =	ssyncadd.s32 $0xFFFFFF80  }
0xb8: {  	_ =	swait.ge [sflag:s8], $0x80  }
0xb9: {  	[sflag:s8] =	ssyncset.done $0x0  }
0xba: {  	[sflag:s8] =	ssyncadd.s32 $0xFFFFFF80  }
0xbb: {  	_ =	swait.ge [sflag:s8], $0x80  }
0xbc: {  	[sflag:s8] =	ssyncset.done $0x0  }
0xbd: {  	[sflag:s8] =	ssyncadd.s32 $0xFFFFFF80  }
0xbe: {  	_ =	swait.ge [sflag:s8], $0x80  }
0xbf: {  	[sflag:s8] =	ssyncset.done $0x0  }
0xc0: {  	[sflag:s8] =	ssyncadd.s32 $0xFFFFFF80  }
0xc1: {  	_ =	swait.ge [sflag:s8], $0x80  }
0xc2: {  	[sflag:s8] =	ssyncset.done $0x0  }
0xc3: {  	[sflag:s8] =	ssyncadd.s32 $0xFFFFFF80  }
0xc4: {  	_ =	swait.ge [sflag:s8], $0x80  }
0xc5: {  	[sflag:s8] =	ssyncset.done $0x0  }
0xc6: {  	[sflag:s8] =	ssyncadd.s32 $0xFFFFFF80  }
0xc7: {  	_ =	swait.ge [sflag:s8], $0x80  }
0xc8: {  	[sflag:s8] =	ssyncset.done $0x0  }
0xc9: {  	s10 =	simm.s32 $0x0;
	s11 =	simm.s32 $0x0;
	[sflag:s8] =	ssyncadd.s32 $0xFFFFFF80  }
.LBB2_6:
0xca: {  	s12 =	sshll.u32 s11, $0x4  }
0xcb: {  	v2 =	vld [tilespmem:s12+$0x2400];
	_ =	sdelay $0x1  }
0xcc: {  	v3 =	vld [tilespmem:s12+$0x2480];
	_ =	sdelay $0x1  }
0xcd: {  	v4 =	vld [tilespmem:s12+$0x2500]  }
0xce: {  	v2 =	vadd.f32 $0.0e+00, v2  }
0xcf: {  	v5 =	vld [tilespmem:s12+$0x2580]  }
0xd0: {  	v2 =	vadd.f32 v3, v2  }
0xd1: {  	v3 =	vld [tilespmem:s12+$0x2600]  }
0xd2: {  	v2 =	vadd.f32 v4, v2  }
0xd3: {  	v4 =	vld [tilespmem:s12+$0x2680]  }
0xd4: {  	v2 =	vadd.f32 v5, v2  }
0xd5: {  	v5 =	vld [tilespmem:s12+$0x2700]  }
0xd6: {  	v2 =	vadd.f32 v3, v2  }
0xd7: {  	v3 =	vld [tilespmem:s12+$0x2780]  }
0xd8: {  	v2 =	vadd.f32 v4, v2  }
0xd9: {  	v4 =	vld [tilespmem:s12+$0x2800]  }
0xda: {  	v2 =	vadd.f32 v5, v2  }
0xdb: {  	v5 =	vld [tilespmem:s12+$0x2880]  }
0xdc: {  	v2 =	vadd.f32 v3, v2  }
0xdd: {  	v3 =	vld [tilespmem:s12+$0x2900]  }
0xde: {  	v2 =	vadd.f32 v4, v2  }
0xdf: {  	v4 =	vld [tilespmem:s12+$0x2980]  }
0xe0: {  	v2 =	vadd.f32 v5, v2  }
0xe1: {  	v5 =	vld [tilespmem:s12+$0x2A00]  }
0xe2: {  	v2 =	vadd.f32 v3, v2  }
0xe3: {  	v3 =	vld [tilespmem:s12+$0x2A80]  }
0xe4: {  	v2 =	vadd.f32 v4, v2  }
0xe5: {  	v4 =	vld [tilespmem:s12+$0x2B00]  }
0xe6: {  	v2 =	vadd.f32 v5, v2  }
0xe7: {  	v5 =	vld [tilespmem:s12+$0x2B80]  }
0xe8: {  	v2 =	vadd.f32 v3, v2  }
0xe9: {  	v3 =	vld [tilespmem:s12+$0x2C00]  }
0xea: {  	v2 =	vadd.f32 v4, v2  }
0xeb: {  	v4 =	vld [tilespmem:s12+$0x2C80]  }
0xec: {  	v2 =	vadd.f32 v5, v2  }
0xed: {  	v5 =	vld [tilespmem:s12+$0x2D00]  }
0xee: {  	v2 =	vadd.f32 v3, v2  }
0xef: {  	v3 =	vld [tilespmem:s12+$0x2D80]  }
0xf0: {  	v2 =	vadd.f32 v4, v2  }
0xf1: {  	v4 =	vld [tilespmem:s12+$0x2E00]  }
0xf2: {  	v2 =	vadd.f32 v5, v2  }
0xf3: {  	v6 =	vmov s12;
	v5 =	vld [tilespmem:s12+$0x2E80]  }
0xf4: {  	v2 =	vadd.f32 v3, v2;
	v3 =	vmul.u32 $0xD, v6  }
0xf5: {  	v6 =	vld [tilespmem:s12+$0x2F00]  }
0xf6: {  	v2 =	vadd.f32 v4, v2;
	v3 =	vbroadcast v3, $0x0;
	_ =	sdelay $0x1  }
0xf7: {  	v4 =	vld [tilespmem:s12+$0x2F80];
	v5 =	vadd.f32 v5, v2;
	v2 =	vadd.s32 v1, v3  }
0xf8: {  	v7 =	vadd.s32 s10, v2  }
0xf9: {  	v3 =	vld [tilespmem:s12+$0x3000];
	v5 =	vadd.f32 v6, v5;
	v6 =	vmov s10;
	_ =	sdelay $0x2  }
0xfa: {  	s13 =	simm.s32 $0x1;
	v8 =	vld [tilespmem:s12+$0x3080];
	v4 =	vadd.f32 v4, v5  }
0xfb: {  	v9 =	vadd.s32 s13, v2;
	v7 =	vld.idx.msk [tilespmem:v7+s5+$0x0], $0xffff  }
0xfc: {  	v3 =	vadd.f32 v3, v4;
	v4 =	vld.idx.msk [tilespmem:v6+s6+$0x0], $0xffff;
	v6 =	vmov s13;
	_ =	sdelay $0x3  }
0xfd: {  	v5 =	vld.idx.msk [tilespmem:v9+s5+$0x0], $0xffff;
	s13 =	simm.s32 $0x2;
	v3 =	vadd.f32 v8, v3  }
.LBB2_7:
0xfe: {  	v8 =	vadd.s32 s13, v2;
	v7 =	vmul.f32 v4, v7;
	v4 =	vld.idx.msk [tilespmem:v6+s6+$0x0], $0xffff;
	p0 =	sne.s32 s13, $0xC  }
.Ltmp2:
0xff: {  	v6 =	vmov s13;
	s13 =	sadd.s32 $0x1, s13;
	(pc) =	sbr.rel @p0 .LBB2_7-.Ltmp2, $2  }
0x100: {  	v3 =	vadd.f32 v7, v3;
	_ =	sdelay $0x2  }
0x101: {  	v7 =	vmov v5;
	v5 =	vld.idx.msk [tilespmem:v8+s5+$0x0], $0xffff  }
0x102: {  	_ =	sdelay $0x3  }
0x103: {  	v2 =	vld.idx.msk [tilespmem:v6+s6+$0x0], $0xffff;
	_ =	sdelay $0x2  }
0x104: {  	v4 =	vmul.f32 v4, v7;
	s11 =	sadd.s32 $0x1, s11  }
0x105: {  	p0 =	sne.s32 s11, $0x8  }
.Ltmp3:
0x106: {  	v3 =	vadd.f32 v4, v3;
	v2 =	vmul.f32 v2, v5;
	(pc) =	sbr.rel @p0 .LBB2_6-.Ltmp3, $3  }
0x107: {  	_ = 	snop  }
0x108: {  	v2 =	vadd.f32 v2, v3;
	_ =	sdelay $0x1  }
0x109: {  	[tilespmem:s12+$0x3400] =	vst v2  }
0x10a: {  	s9 =	sadd.s32 $0x1, s9  }
0x10b: {  	p0 =	sne.s32 s9, s25  }
.Ltmp4:
0x10c: {  	s10 =	simm.s32 $0x3400;
	(pc) =	sbr.rel @p0 .LBB2_1-.Ltmp4, $4  }
0x10d: {  	[hbm4b:s21+s3] =	stream.linear.scatter [tilespmem:s10], [sflag:$0x2], $0x80, $0x38;
	[tilespmem:$0x3480] =	vst v63  }
0x10e: {  	_ =	swait.ge [sflag:s4], $0x80  }
0x10f: {  	[sflag:s4] =	ssyncset.done $0x0  }
0x110: {  	[sflag:s4] =	ssyncadd.s32 $0xFFFFFF80  }
0x111: {  	_ =	sfence.sel $0x180000  }
0x112: {  	[bflag:$0x0] =	sbarrier.arrive $0xFFFF  }
0x113: {  	_ =	strace $0x90000047  }
0x114: {  	s0 =	stileid.u32;
	[bflag:$0x2] =	sbarrier.arrive $0xFFFF  }
0x115: {  	p0 =	sne.s32 s0, $0x0;
	s0 =	rddreg [dreg:$0x2]  }
0x116: {  	s0 =	sadd.s32 @!p0 $0x100000, s0  }
0x117: {  	[sflag:s0] =	ssyncadd.tile.s32 @!p0 $0x1;
	_ =	shalt  }
.Lfunc_end2:
_tile_overlayer_lowered:
.L_overlay_start_2:
0x118: {  	(tag) =	ssettag $0x2  }
0x119: {  	s0 =	rddreg [dreg:$0x0];
	s2 =	stileid.u32  }
0x11a: {  	s1 =	rddreg [dreg:$0x1];
	p0 =	sne.s32 s2, $0x0  }
0x11b: {  	s3 =	rddreg [dreg:$0x2];
	[bflag:$0x3] =	sbarrier.arrive $0xFFFF;
	s2 =	simm.s32 @!p0 $0x1C02  }
0x11c: {  	[timem:s3], [sflag:s2] =	dma.local @!p0 [hbm:s0], s1  }
0x11d: {  	s0 =	simm.s32 @!p0 $0x2  }
0x11e: {  	_ =	swait.ge @!p0 [sflag:s0], s1  }
0x11f: {  	s1 =	ssub.s32 @!p0 $0x0, s1;
	[sflag:s0] =	ssyncset.done @!p0 $0x0  }
0x120: {  	[sflag:s0] =	ssyncadd.s32 @!p0 s1  }
0x121: {  	[bflag:$0x3] =	sbarrier.arrive $0xFFFF  }
0x122: {  	_ =	shalt  }

</sc_bundles>
